<compile_context>
chip_gen: v7x
topology: tpu7x:2x2x1
jax: 0.10.2.dev20260603
libtpu: 0.0.44.dev20260713+nightly
codegen_flags: <defaults>
</compile_context>

<pallas_src>
import functools

import jax
import jax.numpy as jnp
from jax import lax
from jax.experimental import pallas as pl
from jax.experimental.pallas import tpu as pltpu
from jax.experimental.pallas import tpu_sc as plsc

N = 10000
E = 160000
D = 256
HALF = 128
HID = 512
L = 3

NC = 2
NS = 16
K = 128

CH = (E // NS + K - 1) // K + 3
EPT = CH * K
E_PAD = NS * EPT
RPT = N // NS
N_ACC = N + 16


def _sc_body(h3_hbm, h2_hbm, src_hbm, dst3_hbm, out_hbm,
             sidx, didx, gidx, rows, sem, acc):
    c = lax.axis_index("c")
    s = lax.axis_index("s")
    r0 = s * RPT
    pltpu.sync_copy(h3_hbm.at[s, :, pl.ds(c * HALF, HALF)],
                    acc.at[pl.ds(r0, RPT)])
    pltpu.sync_copy(src_hbm.at[pl.ds(s * EPT, EPT)], sidx)
    pltpu.sync_copy(dst3_hbm.at[s], didx)
    plsc.subcore_barrier()

    def chunk(j, carry):
        for k in range(K // 16):
            v = sidx[pl.ds(j * K + 16 * k, 16)]
            gidx[pl.ds(16 * k, 16)] = v * 2 + c
        pltpu.async_copy(h2_hbm.at[gidx], rows, sem).wait()
        pltpu.sync_copy(rows, acc.at[didx.at[j]], add=True)
        return carry

    lax.fori_loop(0, CH, chunk, 0)
    plsc.subcore_barrier()
    pltpu.sync_copy(acc.at[pl.ds(r0, RPT)], out_hbm.at[c, s])


def _make_sc_segsum():
    mesh = plsc.VectorSubcoreMesh(core_axis_name="c", subcore_axis_name="s")
    return functools.partial(
        pl.kernel,
        mesh=mesh,
        out_type=jax.ShapeDtypeStruct((NC, NS, RPT, HALF), jnp.float32),
        scratch_types=[
            pltpu.VMEM((EPT,), jnp.int32),
            pltpu.VMEM((CH, K), jnp.int32),
            pltpu.VMEM((K,), jnp.int32),
            pltpu.VMEM((K, HALF), jnp.float32),
            pltpu.SemaphoreType.DMA,
            pltpu.VMEM_SHARED((N_ACC, HALF), jnp.float32),
        ],
    )(_sc_body)


_sc_segsum = _make_sc_segsum()


_BN_ROWS = 400


def _mlp_body(agg_ref, w1_ref, b1_ref, w2_ref, b2_ref, z_ref, sums_ref, acc_ref):
    m = jnp.concatenate([agg_ref[0], agg_ref[1]], axis=1)
    hid = jnp.dot(m, w1_ref[...], preferred_element_type=jnp.float32)
    hid = jnp.maximum(hid + b1_ref[...], 0.0)
    z = jnp.dot(hid, w2_ref[...], preferred_element_type=jnp.float32)
    z = z + b2_ref[...]
    z_ref[...] = z
    i = pl.program_id(0)

    @pl.when(i == 0)
    def _init():
        acc_ref[...] = jnp.zeros_like(acc_ref)

    acc_ref[0:1, :] += jnp.sum(z, axis=0, keepdims=True)
    acc_ref[1:2, :] += jnp.sum(z * z, axis=0, keepdims=True)

    @pl.when(i == pl.num_programs(0) - 1)
    def _fin():
        sums_ref[...] = acc_ref[...]


def _mlp_call(agg2, W1, b1, W2, b2):
    nb = N // _BN_ROWS
    return pl.pallas_call(
        _mlp_body,
        grid=(nb,),
        in_specs=[
            pl.BlockSpec((NC, _BN_ROWS, HALF), lambda i: (0, i, 0)),
            pl.BlockSpec((D, HID), lambda i: (0, 0)),
            pl.BlockSpec((1, HID), lambda i: (0, 0)),
            pl.BlockSpec((HID, D), lambda i: (0, 0)),
            pl.BlockSpec((1, D), lambda i: (0, 0)),
        ],
        out_specs=[
            pl.BlockSpec((_BN_ROWS, D), lambda i: (i, 0)),
            pl.BlockSpec((8, D), lambda i: (0, 0)),
        ],
        out_shape=[
            jax.ShapeDtypeStruct((N, D), jnp.float32),
            jax.ShapeDtypeStruct((8, D), jnp.float32),
        ],
        scratch_shapes=[pltpu.VMEM((8, D), jnp.float32)],
    )(agg2, W1, b1, W2, b2)


def _bn_body(z_ref, sums_ref, g_ref, b_ref, o_ref, *, relu):
    inv_n = 1.0 / N
    mu = sums_ref[0:1, :] * inv_n
    var = sums_ref[1:2, :] * inv_n - mu * mu
    scale = lax.rsqrt(var + 1e-5) * g_ref[...]
    y = (z_ref[...] - mu) * scale + b_ref[...]
    if relu:
        y = jnp.maximum(y, 0.0)
    o_ref[...] = y


def _bn_call(z, sums, gamma, beta, relu):
    nb = N // _BN_ROWS
    return pl.pallas_call(
        functools.partial(_bn_body, relu=relu),
        grid=(nb,),
        in_specs=[
            pl.BlockSpec((_BN_ROWS, D), lambda i: (i, 0)),
            pl.BlockSpec((8, D), lambda i: (0, 0)),
            pl.BlockSpec((1, D), lambda i: (0, 0)),
            pl.BlockSpec((1, D), lambda i: (0, 0)),
        ],
        out_specs=pl.BlockSpec((_BN_ROWS, D), lambda i: (i, 0)),
        out_shape=jax.ShapeDtypeStruct((N, D), jnp.float32),
    )(z, sums, gamma, beta)


def kernel(x, edge_index, batch, W1s, b1s, W2s, b2s, gammas, betas):
    del batch
    src = edge_index[0]
    dst = edge_index[1]
    pad_t = EPT - E // NS
    src_t = jnp.pad(src.reshape(NS, E // NS), ((0, 0), (0, pad_t)))
    trash = jnp.broadcast_to((N + jnp.arange(NS, dtype=jnp.int32))[:, None],
                             (NS, pad_t))
    dst_t = jnp.concatenate([dst.reshape(NS, E // NS), trash], axis=1)
    src_p = src_t.reshape(-1)
    dst3 = dst_t.reshape(NS, CH, K)

    h = x
    for l in range(L):
        h2 = h.reshape(NC * N, HALF)
        h3 = h.reshape(NS, RPT, D)
        agg2 = _sc_segsum(h3, h2, src_p, dst3).reshape(NC, N, HALF)
        z, sums = _mlp_call(agg2, W1s[l], b1s[l].reshape(1, HID),
                            W2s[l], b2s[l].reshape(1, D))
        h = _bn_call(z, sums, gammas[l].reshape(1, D),
                     betas[l].reshape(1, D), relu=(l < L - 1))
    return h

# --- scband reference (transcript-rebuilt; emitter-appended) ---
"""Pipeline reference for scband-gnnencoder-14285061227133 (READ-ONLY COPY).

The authoritative reference and input builder live on the scoring server;
editing this copy changes nothing except your own understanding.
"""

import jax, jax.numpy as jnp
import numpy as np

N = 10000
E = 160000
D = 256
H = 512
L = 3


def setup_inputs(seed: int = 0) -> dict:
    key = jax.random.key(seed)
    ks = jax.random.split(key, 8)
    x = jax.random.normal(ks[0], (N, D), dtype=jnp.float32)
    edge_index = jax.random.randint(ks[1], (2, E), 0, N, dtype=jnp.int32)
    batch = jnp.zeros((N,), dtype=jnp.int32)
    # GIN MLP params per layer: Linear(D, 2D) -> ReLU -> Linear(2D, D)
    W1s = jax.random.normal(ks[2], (L, D, H), dtype=jnp.float32) * (1.0 / np.sqrt(D))
    b1s = jnp.zeros((L, H), dtype=jnp.float32)
    W2s = jax.random.normal(ks[3], (L, H, D), dtype=jnp.float32) * (1.0 / np.sqrt(H))
    b2s = jnp.zeros((L, D), dtype=jnp.float32)
    # BatchNorm1d params per layer
    gammas = jnp.ones((L, D), dtype=jnp.float32)
    betas = jnp.zeros((L, D), dtype=jnp.float32)
    return {"x": x, "edge_index": edge_index, "batch": batch,
            "W1s": W1s, "b1s": b1s, "W2s": W2s, "b2s": b2s,
            "gammas": gammas, "betas": betas}


def reference(x, edge_index, batch, W1s, b1s, W2s, b2s, gammas, betas):
    # GNNEncoder(num_layer=3, emb_dim=256, JK='last', drop_ratio=0, gnn_type='gin')
    # GINConv(aggr='add', eps=0): h = MLP(x + sum_{j in N(i)} x_j)
    src = edge_index[0]
    dst = edge_index[1]
    h = x
    for l in range(L):
        # message passing: gather source features, scatter-add to destinations
        agg = jax.ops.segment_sum(h[src], dst, num_segments=N)
        m = h + agg
        # GIN MLP
        m = jnp.maximum(m @ W1s[l] + b1s[l], 0.0) @ W2s[l] + b2s[l]
        # BatchNorm1d (training-mode batch statistics over nodes)
        mu = jnp.mean(m, axis=0)
        var = jnp.var(m, axis=0)
        m = (m - mu) / jnp.sqrt(var + 1e-5) * gammas[l] + betas[l]
        # dropout ratio is 0 -> identity; ReLU on all but last layer
        if l < L - 1:
            m = jnp.maximum(m, 0.0)
        h = m
    # JK == 'last'
    return h

if __name__ == "__main__":
    import jax
    _d = setup_inputs()
    print(jax.jit(kernel)(*tuple(_d.values())))

</pallas_src>

<mosaic_0001>
#map = affine_map<(d0, d1) -> (0, 0, 0)>
#map1 = affine_map<(d0, d1) -> (0, 0)>
#map2 = affine_map<(d0, d1) -> (0)>
#map3 = affine_map<(d0, d1) -> (0, 0, 0, 0)>
module attributes {stable_mosaic.version = 14 : i64} {
  func.func @_sc_body(%arg0: i32, %arg1: i32, %arg2: memref<16x625x256xf32, #tpu.memory_space<hbm>>, %arg3: memref<20000x128xf32, #tpu.memory_space<hbm>>, %arg4: memref<167936xi32, #tpu.memory_space<hbm>>, %arg5: memref<16x82x128xi32, #tpu.memory_space<hbm>>, %arg6: memref<2x16x625x128xf32, #tpu.memory_space<hbm>>, %arg7: memref<10496xi32, #tpu.memory_space<vmem>>, %arg8: memref<82x128xi32, #tpu.memory_space<vmem>>, %arg9: memref<128xi32, #tpu.memory_space<vmem>>, %arg10: memref<128x128xf32, #tpu.memory_space<vmem>>, %arg11: memref<!tpu.dma_semaphore, #tpu.memory_space<semaphore_mem>>, %arg12: memref<10016x128xf32, #tpu.memory_space<vmem_shared>>) attributes {dimension_semantics = [#tpu.dimension_semantics<core_parallel>, #tpu.dimension_semantics<subcore_parallel>], iteration_bounds = array<i64: 2, 16>, scalar_prefetch = 0 : i64, scratch_operands = 6 : i64, tpu.core_type = #tpu.core_type<sc_vector_subcore>, window_params = [{transform_indices = #map}, {transform_indices = #map1}, {transform_indices = #map2}, {transform_indices = #map}, {transform_indices = #map3}]} {
    %mul3A = arith.constant 625 : i32
    %mul3A_0 = arith.muli %arg1, %mul3A : i32
    %mul3A_1 = arith.constant 128 : i32
    %mul3A_2 = arith.muli %arg0, %mul3A_1 : i32
    "tpu.region"() ({
      %run_scoped3A = tpu.sem_alloc : memref<!tpu.dma_semaphore, #tpu.memory_space<semaphore_mem>>
      %dma_start3A = arith.constant 0 : i32
      %dma_start3A_11 = tpu.memref_slice %arg12[%mul3A_0, %dma_start3A] : memref<10016x128xf32, #tpu.memory_space<vmem_shared>> -> memref<625x128xf32, #tpu.memory_space<vmem_shared>>
      %dma_start3A_12 = arith.constant 0 : i32
      %dma_start3A_13 = tpu.memref_slice %arg2[%arg1, %dma_start3A_12, %mul3A_2] : memref<16x625x256xf32, #tpu.memory_space<hbm>> -> memref<1x625x128xf32, #tpu.memory_space<hbm>>
      %dma_start3A_14 = tpu.memref_squeeze %dma_start3A_13 : memref<1x625x128xf32, #tpu.memory_space<hbm>> -> memref<625x128xf32, #tpu.memory_space<hbm>>
      tpu.enqueue_dma source(%dma_start3A_14 : memref<625x128xf32, #tpu.memory_space<hbm>>) target(%dma_start3A_11 : memref<625x128xf32, #tpu.memory_space<vmem_shared>>) target_semaphore(%run_scoped3A : memref<!tpu.dma_semaphore, #tpu.memory_space<semaphore_mem>>)
      %dma_wait3A = arith.constant 0 : i32
      %dma_wait3A_15 = tpu.memref_slice %arg12[%mul3A_0, %dma_wait3A] : memref<10016x128xf32, #tpu.memory_space<vmem_shared>> -> memref<625x128xf32, #tpu.memory_space<vmem_shared>>
      %dma_wait3A_16 = arith.constant 0 : i32
      %dma_wait3A_17 = tpu.memref_slice %arg2[%arg1, %dma_wait3A_16, %mul3A_2] : memref<16x625x256xf32, #tpu.memory_space<hbm>> -> memref<1x625x128xf32, #tpu.memory_space<hbm>>
      %dma_wait3A_18 = tpu.memref_squeeze %dma_wait3A_17 : memref<1x625x128xf32, #tpu.memory_space<hbm>> -> memref<625x128xf32, #tpu.memory_space<hbm>>
      tpu.wait_dma2 semaphore(%run_scoped3A : memref<!tpu.dma_semaphore, #tpu.memory_space<semaphore_mem>>) src(%dma_wait3A_18 : memref<625x128xf32, #tpu.memory_space<hbm>>) dst(%dma_wait3A_15 : memref<625x128xf32, #tpu.memory_space<vmem_shared>>)
      tpu.yield
    }) : () -> ()
    %mul3A_3 = arith.constant 10496 : i32
    %mul3A_4 = arith.muli %arg1, %mul3A_3 : i32
    "tpu.region"() ({
      %run_scoped3A = tpu.sem_alloc : memref<!tpu.dma_semaphore, #tpu.memory_space<semaphore_mem>>
      %dma_start3A = tpu.memref_slice %arg4[%mul3A_4] : memref<167936xi32, #tpu.memory_space<hbm>> -> memref<10496xi32, #tpu.memory_space<hbm>>
      %dma_start3A_11 = tpu.memref_slice %arg4[%mul3A_4] : memref<167936xi32, #tpu.memory_space<hbm>> -> memref<10496xi32, #tpu.memory_space<hbm>>
      tpu.enqueue_dma source(%dma_start3A_11 : memref<10496xi32, #tpu.memory_space<hbm>>) target(%arg7 : memref<10496xi32, #tpu.memory_space<vmem>>) target_semaphore(%run_scoped3A : memref<!tpu.dma_semaphore, #tpu.memory_space<semaphore_mem>>)
      %dma_wait3A = tpu.memref_slice %arg4[%mul3A_4] : memref<167936xi32, #tpu.memory_space<hbm>> -> memref<10496xi32, #tpu.memory_space<hbm>>
      %dma_wait3A_12 = tpu.memref_slice %arg4[%mul3A_4] : memref<167936xi32, #tpu.memory_space<hbm>> -> memref<10496xi32, #tpu.memory_space<hbm>>
      tpu.wait_dma2 semaphore(%run_scoped3A : memref<!tpu.dma_semaphore, #tpu.memory_space<semaphore_mem>>) src(%dma_wait3A_12 : memref<10496xi32, #tpu.memory_space<hbm>>) dst(%arg7 : memref<10496xi32, #tpu.memory_space<vmem>>)
      tpu.yield
    }) : () -> ()
    "tpu.region"() ({
      %run_scoped3A = tpu.sem_alloc : memref<!tpu.dma_semaphore, #tpu.memory_space<semaphore_mem>>
      %dma_start3A = arith.constant 0 : i32
      %dma_start3A_11 = arith.constant 0 : i32
      %dma_start3A_12 = tpu.memref_slice %arg5[%arg1, %dma_start3A, %dma_start3A_11] : memref<16x82x128xi32, #tpu.memory_space<hbm>> -> memref<1x82x128xi32, #tpu.memory_space<hbm>>
      %dma_start3A_13 = tpu.memref_squeeze %dma_start3A_12 : memref<1x82x128xi32, #tpu.memory_space<hbm>> -> memref<82x128xi32, #tpu.memory_space<hbm>>
      %dma_start3A_14 = arith.constant 0 : i32
      %dma_start3A_15 = arith.constant 0 : i32
      %dma_start3A_16 = tpu.memref_slice %arg5[%arg1, %dma_start3A_14, %dma_start3A_15] : memref<16x82x128xi32, #tpu.memory_space<hbm>> -> memref<1x82x128xi32, #tpu.memory_space<hbm>>
      %dma_start3A_17 = tpu.memref_squeeze %dma_start3A_16 : memref<1x82x128xi32, #tpu.memory_space<hbm>> -> memref<82x128xi32, #tpu.memory_space<hbm>>
      tpu.enqueue_dma source(%dma_start3A_17 : memref<82x128xi32, #tpu.memory_space<hbm>>) target(%arg8 : memref<82x128xi32, #tpu.memory_space<vmem>>) target_semaphore(%run_scoped3A : memref<!tpu.dma_semaphore, #tpu.memory_space<semaphore_mem>>)
      %dma_wait3A = arith.constant 0 : i32
      %dma_wait3A_18 = arith.constant 0 : i32
      %dma_wait3A_19 = tpu.memref_slice %arg5[%arg1, %dma_wait3A, %dma_wait3A_18] : memref<16x82x128xi32, #tpu.memory_space<hbm>> -> memref<1x82x128xi32, #tpu.memory_space<hbm>>
      %dma_wait3A_20 = tpu.memref_squeeze %dma_wait3A_19 : memref<1x82x128xi32, #tpu.memory_space<hbm>> -> memref<82x128xi32, #tpu.memory_space<hbm>>
      %dma_wait3A_21 = arith.constant 0 : i32
      %dma_wait3A_22 = arith.constant 0 : i32
      %dma_wait3A_23 = tpu.memref_slice %arg5[%arg1, %dma_wait3A_21, %dma_wait3A_22] : memref<16x82x128xi32, #tpu.memory_space<hbm>> -> memref<1x82x128xi32, #tpu.memory_space<hbm>>
      %dma_wait3A_24 = tpu.memref_squeeze %dma_wait3A_23 : memref<1x82x128xi32, #tpu.memory_space<hbm>> -> memref<82x128xi32, #tpu.memory_space<hbm>>
      tpu.wait_dma2 semaphore(%run_scoped3A : memref<!tpu.dma_semaphore, #tpu.memory_space<semaphore_mem>>) src(%dma_wait3A_24 : memref<82x128xi32, #tpu.memory_space<hbm>>) dst(%arg8 : memref<82x128xi32, #tpu.memory_space<vmem>>)
      tpu.yield
    }) : () -> ()
    %barrier3A = arith.constant 0 : index
    tpu.barrier barrier_id(%barrier3A)
    %scan3A = arith.constant 0 : i32
    %scan3A_5 = arith.constant 0 : i32
    %scan3A_6 = arith.constant 82 : i32
    %scan3A_7 = arith.addi %scan3A_5, %scan3A_6 : i32
    %scan3A_8 = arith.constant 1 : i32
    scf.for %scan3A_11 = %scan3A_5 to %scan3A_7 step %scan3A_8  : i32 {
      %mul3A_12 = arith.constant 128 : i32
      %mul3A_13 = arith.muli %scan3A_11, %mul3A_12 : i32
      %add3A = arith.constant 0 : i32
      %add3A_14 = arith.addi %mul3A_13, %add3A : i32
      %get3A = arith.index_cast %add3A_14 : i32 to index
      %get3A_15 = tpu.vector_load %arg7[%get3A] {strides = array<i32>} : memref<10496xi32, #tpu.memory_space<vmem>>, vector<16xi32>,
      %get3A_16 = vector.shape_cast %get3A_15 : vector<16xi32> to vector<16xi32>
      %mul3A_17 = arith.constant 2 : i32
      %mul3A_18 = vector.broadcast %mul3A_17 : i32 to vector<16xi32>
      %mul3A_19 = arith.muli %get3A_16, %mul3A_18 : vector<16xi32>
      %add3A_20 = vector.broadcast %arg0 : i32 to vector<16xi32>
      %add3A_21 = arith.addi %mul3A_19, %add3A_20 : vector<16xi32>
      %swap3A = arith.constant 0 : index
      %swap3A_22 = tpu.vector_load %arg9[%swap3A] {strides = array<i32>} : memref<128xi32, #tpu.memory_space<vmem>>, vector<16xi32>,
      %swap3A_23 = vector.shape_cast %swap3A_22 : vector<16xi32> to vector<16xi32>
      %swap3A_24 = vector.shape_cast %add3A_21 : vector<16xi32> to vector<16xi32>
      tpu.vector_store %arg9[%swap3A], %swap3A_24 {strides = array<i32>} : memref<128xi32, #tpu.memory_space<vmem>>, vector<16xi32>,
      %mul3A_25 = arith.constant 128 : i32
      %mul3A_26 = arith.muli %scan3A_11, %mul3A_25 : i32
      %add3A_27 = arith.constant 16 : i32
      %add3A_28 = arith.addi %mul3A_26, %add3A_27 : i32
      %get3A_29 = arith.index_cast %add3A_28 : i32 to index
      %get3A_30 = tpu.vector_load %arg7[%get3A_29] {strides = array<i32>} : memref<10496xi32, #tpu.memory_space<vmem>>, vector<16xi32>,
      %get3A_31 = vector.shape_cast %get3A_30 : vector<16xi32> to vector<16xi32>
      %mul3A_32 = arith.constant 2 : i32
      %mul3A_33 = vector.broadcast %mul3A_32 : i32 to vector<16xi32>
      %mul3A_34 = arith.muli %get3A_31, %mul3A_33 : vector<16xi32>
      %add3A_35 = vector.broadcast %arg0 : i32 to vector<16xi32>
      %add3A_36 = arith.addi %mul3A_34, %add3A_35 : vector<16xi32>
      %swap3A_37 = arith.constant 16 : index
      %swap3A_38 = tpu.vector_load %arg9[%swap3A_37] {strides = array<i32>} : memref<128xi32, #tpu.memory_space<vmem>>, vector<16xi32>,
      %swap3A_39 = vector.shape_cast %swap3A_38 : vector<16xi32> to vector<16xi32>
      %swap3A_40 = vector.shape_cast %add3A_36 : vector<16xi32> to vector<16xi32>
      tpu.vector_store %arg9[%swap3A_37], %swap3A_40 {strides = array<i32>} : memref<128xi32, #tpu.memory_space<vmem>>, vector<16xi32>,
      %mul3A_41 = arith.constant 128 : i32
      %mul3A_42 = arith.muli %scan3A_11, %mul3A_41 : i32
      %add3A_43 = arith.constant 32 : i32
      %add3A_44 = arith.addi %mul3A_42, %add3A_43 : i32
      %get3A_45 = arith.index_cast %add3A_44 : i32 to index
      %get3A_46 = tpu.vector_load %arg7[%get3A_45] {strides = array<i32>} : memref<10496xi32, #tpu.memory_space<vmem>>, vector<16xi32>,
      %get3A_47 = vector.shape_cast %get3A_46 : vector<16xi32> to vector<16xi32>
      %mul3A_48 = arith.constant 2 : i32
      %mul3A_49 = vector.broadcast %mul3A_48 : i32 to vector<16xi32>
      %mul3A_50 = arith.muli %get3A_47, %mul3A_49 : vector<16xi32>
      %add3A_51 = vector.broadcast %arg0 : i32 to vector<16xi32>
      %add3A_52 = arith.addi %mul3A_50, %add3A_51 : vector<16xi32>
      %swap3A_53 = arith.constant 32 : index
      %swap3A_54 = tpu.vector_load %arg9[%swap3A_53] {strides = array<i32>} : memref<128xi32, #tpu.memory_space<vmem>>, vector<16xi32>,
      %swap3A_55 = vector.shape_cast %swap3A_54 : vector<16xi32> to vector<16xi32>
      %swap3A_56 = vector.shape_cast %add3A_52 : vector<16xi32> to vector<16xi32>
      tpu.vector_store %arg9[%swap3A_53], %swap3A_56 {strides = array<i32>} : memref<128xi32, #tpu.memory_space<vmem>>, vector<16xi32>,
      %mul3A_57 = arith.constant 128 : i32
      %mul3A_58 = arith.muli %scan3A_11, %mul3A_57 : i32
      %add3A_59 = arith.constant 48 : i32
      %add3A_60 = arith.addi %mul3A_58, %add3A_59 : i32
      %get3A_61 = arith.index_cast %add3A_60 : i32 to index
      %get3A_62 = tpu.vector_load %arg7[%get3A_61] {strides = array<i32>} : memref<10496xi32, #tpu.memory_space<vmem>>, vector<16xi32>,
      %get3A_63 = vector.shape_cast %get3A_62 : vector<16xi32> to vector<16xi32>
      %mul3A_64 = arith.constant 2 : i32
      %mul3A_65 = vector.broadcast %mul3A_64 : i32 to vector<16xi32>
      %mul3A_66 = arith.muli %get3A_63, %mul3A_65 : vector<16xi32>
      %add3A_67 = vector.broadcast %arg0 : i32 to vector<16xi32>
      %add3A_68 = arith.addi %mul3A_66, %add3A_67 : vector<16xi32>
      %swap3A_69 = arith.constant 48 : index
      %swap3A_70 = tpu.vector_load %arg9[%swap3A_69] {strides = array<i32>} : memref<128xi32, #tpu.memory_space<vmem>>, vector<16xi32>,
      %swap3A_71 = vector.shape_cast %swap3A_70 : vector<16xi32> to vector<16xi32>
      %swap3A_72 = vector.shape_cast %add3A_68 : vector<16xi32> to vector<16xi32>
      tpu.vector_store %arg9[%swap3A_69], %swap3A_72 {strides = array<i32>} : memref<128xi32, #tpu.memory_space<vmem>>, vector<16xi32>,
      %mul3A_73 = arith.constant 128 : i32
      %mul3A_74 = arith.muli %scan3A_11, %mul3A_73 : i32
      %add3A_75 = arith.constant 64 : i32
      %add3A_76 = arith.addi %mul3A_74, %add3A_75 : i32
      %get3A_77 = arith.index_cast %add3A_76 : i32 to index
      %get3A_78 = tpu.vector_load %arg7[%get3A_77] {strides = array<i32>} : memref<10496xi32, #tpu.memory_space<vmem>>, vector<16xi32>,
      %get3A_79 = vector.shape_cast %get3A_78 : vector<16xi32> to vector<16xi32>
      %mul3A_80 = arith.constant 2 : i32
      %mul3A_81 = vector.broadcast %mul3A_80 : i32 to vector<16xi32>
      %mul3A_82 = arith.muli %get3A_79, %mul3A_81 : vector<16xi32>
      %add3A_83 = vector.broadcast %arg0 : i32 to vector<16xi32>
      %add3A_84 = arith.addi %mul3A_82, %add3A_83 : vector<16xi32>
      %swap3A_85 = arith.constant 64 : index
      %swap3A_86 = tpu.vector_load %arg9[%swap3A_85] {strides = array<i32>} : memref<128xi32, #tpu.memory_space<vmem>>, vector<16xi32>,
      %swap3A_87 = vector.shape_cast %swap3A_86 : vector<16xi32> to vector<16xi32>
      %swap3A_88 = vector.shape_cast %add3A_84 : vector<16xi32> to vector<16xi32>
      tpu.vector_store %arg9[%swap3A_85], %swap3A_88 {strides = array<i32>} : memref<128xi32, #tpu.memory_space<vmem>>, vector<16xi32>,
      %mul3A_89 = arith.constant 128 : i32
      %mul3A_90 = arith.muli %scan3A_11, %mul3A_89 : i32
      %add3A_91 = arith.constant 80 : i32
      %add3A_92 = arith.addi %mul3A_90, %add3A_91 : i32
      %get3A_93 = arith.index_cast %add3A_92 : i32 to index
      %get3A_94 = tpu.vector_load %arg7[%get3A_93] {strides = array<i32>} : memref<10496xi32, #tpu.memory_space<vmem>>, vector<16xi32>,
      %get3A_95 = vector.shape_cast %get3A_94 : vector<16xi32> to vector<16xi32>
      %mul3A_96 = arith.constant 2 : i32
      %mul3A_97 = vector.broadcast %mul3A_96 : i32 to vector<16xi32>
      %mul3A_98 = arith.muli %get3A_95, %mul3A_97 : vector<16xi32>
      %add3A_99 = vector.broadcast %arg0 : i32 to vector<16xi32>
      %add3A_100 = arith.addi %mul3A_98, %add3A_99 : vector<16xi32>
      %swap3A_101 = arith.constant 80 : index
      %swap3A_102 = tpu.vector_load %arg9[%swap3A_101] {strides = array<i32>} : memref<128xi32, #tpu.memory_space<vmem>>, vector<16xi32>,
      %swap3A_103 = vector.shape_cast %swap3A_102 : vector<16xi32> to vector<16xi32>
      %swap3A_104 = vector.shape_cast %add3A_100 : vector<16xi32> to vector<16xi32>
      tpu.vector_store %arg9[%swap3A_101], %swap3A_104 {strides = array<i32>} : memref<128xi32, #tpu.memory_space<vmem>>, vector<16xi32>,
      %mul3A_105 = arith.constant 128 : i32
      %mul3A_106 = arith.muli %scan3A_11, %mul3A_105 : i32
      %add3A_107 = arith.constant 96 : i32
      %add3A_108 = arith.addi %mul3A_106, %add3A_107 : i32
      %get3A_109 = arith.index_cast %add3A_108 : i32 to index
      %get3A_110 = tpu.vector_load %arg7[%get3A_109] {strides = array<i32>} : memref<10496xi32, #tpu.memory_space<vmem>>, vector<16xi32>,
      %get3A_111 = vector.shape_cast %get3A_110 : vector<16xi32> to vector<16xi32>
      %mul3A_112 = arith.constant 2 : i32
      %mul3A_113 = vector.broadcast %mul3A_112 : i32 to vector<16xi32>
      %mul3A_114 = arith.muli %get3A_111, %mul3A_113 : vector<16xi32>
      %add3A_115 = vector.broadcast %arg0 : i32 to vector<16xi32>
      %add3A_116 = arith.addi %mul3A_114, %add3A_115 : vector<16xi32>
      %swap3A_117 = arith.constant 96 : index
      %swap3A_118 = tpu.vector_load %arg9[%swap3A_117] {strides = array<i32>} : memref<128xi32, #tpu.memory_space<vmem>>, vector<16xi32>,
      %swap3A_119 = vector.shape_cast %swap3A_118 : vector<16xi32> to vector<16xi32>
      %swap3A_120 = vector.shape_cast %add3A_116 : vector<16xi32> to vector<16xi32>
      tpu.vector_store %arg9[%swap3A_117], %swap3A_120 {strides = array<i32>} : memref<128xi32, #tpu.memory_space<vmem>>, vector<16xi32>,
      %mul3A_121 = arith.constant 128 : i32
      %mul3A_122 = arith.muli %scan3A_11, %mul3A_121 : i32
      %add3A_123 = arith.constant 112 : i32
      %add3A_124 = arith.addi %mul3A_122, %add3A_123 : i32
      %get3A_125 = arith.index_cast %add3A_124 : i32 to index
      %get3A_126 = tpu.vector_load %arg7[%get3A_125] {strides = array<i32>} : memref<10496xi32, #tpu.memory_space<vmem>>, vector<16xi32>,
      %get3A_127 = vector.shape_cast %get3A_126 : vector<16xi32> to vector<16xi32>
      %mul3A_128 = arith.constant 2 : i32
      %mul3A_129 = vector.broadcast %mul3A_128 : i32 to vector<16xi32>
      %mul3A_130 = arith.muli %get3A_127, %mul3A_129 : vector<16xi32>
      %add3A_131 = vector.broadcast %arg0 : i32 to vector<16xi32>
      %add3A_132 = arith.addi %mul3A_130, %add3A_131 : vector<16xi32>
      %swap3A_133 = arith.constant 112 : index
      %swap3A_134 = tpu.vector_load %arg9[%swap3A_133] {strides = array<i32>} : memref<128xi32, #tpu.memory_space<vmem>>, vector<16xi32>,
      %swap3A_135 = vector.shape_cast %swap3A_134 : vector<16xi32> to vector<16xi32>
      %swap3A_136 = vector.shape_cast %add3A_132 : vector<16xi32> to vector<16xi32>
      tpu.vector_store %arg9[%swap3A_133], %swap3A_136 {strides = array<i32>} : memref<128xi32, #tpu.memory_space<vmem>>, vector<16xi32>,
      %dma_start3A = arith.constant 0 : i32
      %dma_start3A_137 = arith.constant 0 : i32
      %dma_start3A_138 = tpu.memref_slice %arg3[%dma_start3A, %dma_start3A_137] : memref<20000x128xf32, #tpu.memory_space<hbm>> -> memref<20000x128xf32, #tpu.memory_space<hbm>>
      tpu.enqueue_indirect_dma source(%dma_start3A_138 : memref<20000x128xf32, #tpu.memory_space<hbm>>) target(%arg10 : memref<128x128xf32, #tpu.memory_space<vmem>>) offsets(%arg9 : memref<128xi32, #tpu.memory_space<vmem>>) semaphore(%arg11 : memref<!tpu.dma_semaphore, #tpu.memory_space<semaphore_mem>>)
      %dma_wait3A = arith.constant 0 : i32
      %dma_wait3A_139 = arith.constant 0 : i32
      %dma_wait3A_140 = tpu.memref_slice %arg3[%dma_wait3A, %dma_wait3A_139] : memref<20000x128xf32, #tpu.memory_space<hbm>> -> memref<20000x128xf32, #tpu.memory_space<hbm>>
      tpu.wait_indirect_dma semaphore(%arg11 : memref<!tpu.dma_semaphore, #tpu.memory_space<semaphore_mem>>) src(%dma_wait3A_140 : memref<20000x128xf32, #tpu.memory_space<hbm>>) dst(%arg10 : memref<128x128xf32, #tpu.memory_space<vmem>>)
      "tpu.region"() ({
        %run_scoped3A = tpu.sem_alloc : memref<!tpu.dma_semaphore, #tpu.memory_space<semaphore_mem>>
        %dma_start3A_141 = arith.constant 0 : i32
        %dma_start3A_142 = tpu.memref_slice %arg8[%scan3A_11, %dma_start3A_141] : memref<82x128xi32, #tpu.memory_space<vmem>> -> memref<1x128xi32, #tpu.memory_space<vmem>>
        %dma_start3A_143 = tpu.memref_squeeze %dma_start3A_142 : memref<1x128xi32, #tpu.memory_space<vmem>> -> memref<128xi32, #tpu.memory_space<vmem>>
        %dma_start3A_144 = arith.constant 0 : i32
        %dma_start3A_145 = arith.constant 0 : i32
        %dma_start3A_146 = tpu.memref_slice %arg12[%dma_start3A_144, %dma_start3A_145] : memref<10016x128xf32, #tpu.memory_space<vmem_shared>> -> memref<10016x128xf32, #tpu.memory_space<vmem_shared>>
        tpu.enqueue_indirect_dma source(%arg10 : memref<128x128xf32, #tpu.memory_space<vmem>>) target(%dma_start3A_146 : memref<10016x128xf32, #tpu.memory_space<vmem_shared>>) offsets(%dma_start3A_143 : memref<128xi32, #tpu.memory_space<vmem>>) semaphore(%run_scoped3A : memref<!tpu.dma_semaphore, #tpu.memory_space<semaphore_mem>>) {add = true}
        %dma_wait3A_147 = arith.constant 0 : i32
        %dma_wait3A_148 = tpu.memref_slice %arg8[%scan3A_11, %dma_wait3A_147] : memref<82x128xi32, #tpu.memory_space<vmem>> -> memref<1x128xi32, #tpu.memory_space<vmem>>
        %dma_wait3A_149 = tpu.memref_squeeze %dma_wait3A_148 : memref<1x128xi32, #tpu.memory_space<vmem>> -> memref<128xi32, #tpu.memory_space<vmem>>
        %dma_wait3A_150 = arith.constant 0 : i32
        %dma_wait3A_151 = arith.constant 0 : i32
        %dma_wait3A_152 = tpu.memref_slice %arg12[%dma_wait3A_150, %dma_wait3A_151] : memref<10016x128xf32, #tpu.memory_space<vmem_shared>> -> memref<10016x128xf32, #tpu.memory_space<vmem_shared>>
        tpu.wait_indirect_dma semaphore(%run_scoped3A : memref<!tpu.dma_semaphore, #tpu.memory_space<semaphore_mem>>) src(%arg10 : memref<128x128xf32, #tpu.memory_space<vmem>>) dst(%dma_wait3A_152 : memref<10016x128xf32, #tpu.memory_space<vmem_shared>>)
        tpu.yield
      }) : () -> ()
    }
    %scan3A_9 = arith.constant 82 : i32
    %barrier3A_10 = arith.constant 0 : index
    tpu.barrier barrier_id(%barrier3A_10)
    "tpu.region"() ({
      %run_scoped3A = tpu.sem_alloc : memref<!tpu.dma_semaphore, #tpu.memory_space<semaphore_mem>>
      %dma_start3A = arith.constant 0 : i32
      %dma_start3A_11 = arith.constant 0 : i32
      %dma_start3A_12 = tpu.memref_slice %arg6[%arg0, %arg1, %dma_start3A, %dma_start3A_11] : memref<2x16x625x128xf32, #tpu.memory_space<hbm>> -> memref<1x1x625x128xf32, #tpu.memory_space<hbm>>
      %dma_start3A_13 = tpu.memref_squeeze %dma_start3A_12 : memref<1x1x625x128xf32, #tpu.memory_space<hbm>> -> memref<625x128xf32, #tpu.memory_space<hbm>>
      %dma_start3A_14 = arith.constant 0 : i32
      %dma_start3A_15 = tpu.memref_slice %arg12[%mul3A_0, %dma_start3A_14] : memref<10016x128xf32, #tpu.memory_space<vmem_shared>> -> memref<625x128xf32, #tpu.memory_space<vmem_shared>>
      tpu.enqueue_dma source(%dma_start3A_15 : memref<625x128xf32, #tpu.memory_space<vmem_shared>>) target(%dma_start3A_13 : memref<625x128xf32, #tpu.memory_space<hbm>>) target_semaphore(%run_scoped3A : memref<!tpu.dma_semaphore, #tpu.memory_space<semaphore_mem>>)
      %dma_wait3A = arith.constant 0 : i32
      %dma_wait3A_16 = arith.constant 0 : i32
      %dma_wait3A_17 = tpu.memref_slice %arg6[%arg0, %arg1, %dma_wait3A, %dma_wait3A_16] : memref<2x16x625x128xf32, #tpu.memory_space<hbm>> -> memref<1x1x625x128xf32, #tpu.memory_space<hbm>>
      %dma_wait3A_18 = tpu.memref_squeeze %dma_wait3A_17 : memref<1x1x625x128xf32, #tpu.memory_space<hbm>> -> memref<625x128xf32, #tpu.memory_space<hbm>>
      %dma_wait3A_19 = arith.constant 0 : i32
      %dma_wait3A_20 = tpu.memref_slice %arg12[%mul3A_0, %dma_wait3A_19] : memref<10016x128xf32, #tpu.memory_space<vmem_shared>> -> memref<625x128xf32, #tpu.memory_space<vmem_shared>>
      tpu.wait_dma2 semaphore(%run_scoped3A : memref<!tpu.dma_semaphore, #tpu.memory_space<semaphore_mem>>) src(%dma_wait3A_20 : memref<625x128xf32, #tpu.memory_space<vmem_shared>>) dst(%dma_wait3A_18 : memref<625x128xf32, #tpu.memory_space<hbm>>)
      tpu.yield
    }) : () -> ()
    return
  }
}

#map = affine_map<(d0, d1) -> (0, 0, 0)>
#map1 = affine_map<(d0, d1) -> (0, 0)>
#map2 = affine_map<(d0, d1) -> (0)>
#map3 = affine_map<(d0, d1) -> (0, 0, 0, 0)>
module attributes {stable_mosaic.version = 14 : i64} {
  func.func @_sc_body(%arg0: i32, %arg1: i32, %arg2: memref<16x625x256xf32, #tpu.memory_space<hbm>>, %arg3: memref<20000x128xf32, #tpu.memory_space<hbm>>, %arg4: memref<167936xi32, #tpu.memory_space<hbm>>, %arg5: memref<16x82x128xi32, #tpu.memory_space<hbm>>, %arg6: memref<2x16x625x128xf32, #tpu.memory_space<hbm>>, %arg7: memref<10496xi32, #tpu.memory_space<vmem>>, %arg8: memref<82x128xi32, #tpu.memory_space<vmem>>, %arg9: memref<128xi32, #tpu.memory_space<vmem>>, %arg10: memref<128x128xf32, #tpu.memory_space<vmem>>, %arg11: memref<!tpu.dma_semaphore, #tpu.memory_space<semaphore_mem>>, %arg12: memref<10016x128xf32, #tpu.memory_space<vmem_shared>>) attributes {dimension_semantics = [#tpu.dimension_semantics<core_parallel>, #tpu.dimension_semantics<subcore_parallel>], iteration_bounds = array<i64: 2, 16>, scalar_prefetch = 0 : i64, scratch_operands = 6 : i64, tpu.core_type = #tpu.core_type<sc_vector_subcore>, window_params = [{transform_indices = #map}, {transform_indices = #map1}, {transform_indices = #map2}, {transform_indices = #map}, {transform_indices = #map3}]} {
    %mul3A = arith.constant 625 : i32
    %mul3A_0 = arith.muli %arg1, %mul3A : i32
    %mul3A_1 = arith.constant 128 : i32
    %mul3A_2 = arith.muli %arg0, %mul3A_1 : i32
    "tpu.region"() ({
      %run_scoped3A = tpu.sem_alloc : memref<!tpu.dma_semaphore, #tpu.memory_space<semaphore_mem>>
      %dma_start3A = arith.constant 0 : i32
      %dma_start3A_11 = tpu.memref_slice %arg12[%mul3A_0, %dma_start3A] : memref<10016x128xf32, #tpu.memory_space<vmem_shared>> -> memref<625x128xf32, #tpu.memory_space<vmem_shared>>
      %dma_start3A_12 = arith.constant 0 : i32
      %dma_start3A_13 = tpu.memref_slice %arg2[%arg1, %dma_start3A_12, %mul3A_2] : memref<16x625x256xf32, #tpu.memory_space<hbm>> -> memref<1x625x128xf32, #tpu.memory_space<hbm>>
      %dma_start3A_14 = tpu.memref_squeeze %dma_start3A_13 : memref<1x625x128xf32, #tpu.memory_space<hbm>> -> memref<625x128xf32, #tpu.memory_space<hbm>>
      tpu.enqueue_dma source(%dma_start3A_14 : memref<625x128xf32, #tpu.memory_space<hbm>>) target(%dma_start3A_11 : memref<625x128xf32, #tpu.memory_space<vmem_shared>>) target_semaphore(%run_scoped3A : memref<!tpu.dma_semaphore, #tpu.memory_space<semaphore_mem>>)
      %dma_wait3A = arith.constant 0 : i32
      %dma_wait3A_15 = tpu.memref_slice %arg12[%mul3A_0, %dma_wait3A] : memref<10016x128xf32, #tpu.memory_space<vmem_shared>> -> memref<625x128xf32, #tpu.memory_space<vmem_shared>>
      %dma_wait3A_16 = arith.constant 0 : i32
      %dma_wait3A_17 = tpu.memref_slice %arg2[%arg1, %dma_wait3A_16, %mul3A_2] : memref<16x625x256xf32, #tpu.memory_space<hbm>> -> memref<1x625x128xf32, #tpu.memory_space<hbm>>
      %dma_wait3A_18 = tpu.memref_squeeze %dma_wait3A_17 : memref<1x625x128xf32, #tpu.memory_space<hbm>> -> memref<625x128xf32, #tpu.memory_space<hbm>>
      tpu.wait_dma2 semaphore(%run_scoped3A : memref<!tpu.dma_semaphore, #tpu.memory_space<semaphore_mem>>) src(%dma_wait3A_18 : memref<625x128xf32, #tpu.memory_space<hbm>>) dst(%dma_wait3A_15 : memref<625x128xf32, #tpu.memory_space<vmem_shared>>)
      tpu.yield
    }) : () -> ()
    %mul3A_3 = arith.constant 10496 : i32
    %mul3A_4 = arith.muli %arg1, %mul3A_3 : i32
    "tpu.region"() ({
      %run_scoped3A = tpu.sem_alloc : memref<!tpu.dma_semaphore, #tpu.memory_space<semaphore_mem>>
      %dma_start3A = tpu.memref_slice %arg4[%mul3A_4] : memref<167936xi32, #tpu.memory_space<hbm>> -> memref<10496xi32, #tpu.memory_space<hbm>>
      %dma_start3A_11 = tpu.memref_slice %arg4[%mul3A_4] : memref<167936xi32, #tpu.memory_space<hbm>> -> memref<10496xi32, #tpu.memory_space<hbm>>
      tpu.enqueue_dma source(%dma_start3A_11 : memref<10496xi32, #tpu.memory_space<hbm>>) target(%arg7 : memref<10496xi32, #tpu.memory_space<vmem>>) target_semaphore(%run_scoped3A : memref<!tpu.dma_semaphore, #tpu.memory_space<semaphore_mem>>)
      %dma_wait3A = tpu.memref_slice %arg4[%mul3A_4] : memref<167936xi32, #tpu.memory_space<hbm>> -> memref<10496xi32, #tpu.memory_space<hbm>>
      %dma_wait3A_12 = tpu.memref_slice %arg4[%mul3A_4] : memref<167936xi32, #tpu.memory_space<hbm>> -> memref<10496xi32, #tpu.memory_space<hbm>>
      tpu.wait_dma2 semaphore(%run_scoped3A : memref<!tpu.dma_semaphore, #tpu.memory_space<semaphore_mem>>) src(%dma_wait3A_12 : memref<10496xi32, #tpu.memory_space<hbm>>) dst(%arg7 : memref<10496xi32, #tpu.memory_space<vmem>>)
      tpu.yield
    }) : () -> ()
    "tpu.region"() ({
      %run_scoped3A = tpu.sem_alloc : memref<!tpu.dma_semaphore, #tpu.memory_space<semaphore_mem>>
      %dma_start3A = arith.constant 0 : i32
      %dma_start3A_11 = arith.constant 0 : i32
      %dma_start3A_12 = tpu.memref_slice %arg5[%arg1, %dma_start3A, %dma_start3A_11] : memref<16x82x128xi32, #tpu.memory_space<hbm>> -> memref<1x82x128xi32, #tpu.memory_space<hbm>>
      %dma_start3A_13 = tpu.memref_squeeze %dma_start3A_12 : memref<1x82x128xi32, #tpu.memory_space<hbm>> -> memref<82x128xi32, #tpu.memory_space<hbm>>
      %dma_start3A_14 = arith.constant 0 : i32
      %dma_start3A_15 = arith.constant 0 : i32
      %dma_start3A_16 = tpu.memref_slice %arg5[%arg1, %dma_start3A_14, %dma_start3A_15] : memref<16x82x128xi32, #tpu.memory_space<hbm>> -> memref<1x82x128xi32, #tpu.memory_space<hbm>>
      %dma_start3A_17 = tpu.memref_squeeze %dma_start3A_16 : memref<1x82x128xi32, #tpu.memory_space<hbm>> -> memref<82x128xi32, #tpu.memory_space<hbm>>
      tpu.enqueue_dma source(%dma_start3A_17 : memref<82x128xi32, #tpu.memory_space<hbm>>) target(%arg8 : memref<82x128xi32, #tpu.memory_space<vmem>>) target_semaphore(%run_scoped3A : memref<!tpu.dma_semaphore, #tpu.memory_space<semaphore_mem>>)
      %dma_wait3A = arith.constant 0 : i32
      %dma_wait3A_18 = arith.constant 0 : i32
      %dma_wait3A_19 = tpu.memref_slice %arg5[%arg1, %dma_wait3A, %dma_wait3A_18] : memref<16x82x128xi32, #tpu.memory_space<hbm>> -> memref<1x82x128xi32, #tpu.memory_space<hbm>>
      %dma_wait3A_20 = tpu.memref_squeeze %dma_wait3A_19 : memref<1x82x128xi32, #tpu.memory_space<hbm>> -> memref<82x128xi32, #tpu.memory_space<hbm>>
      %dma_wait3A_21 = arith.constant 0 : i32
      %dma_wait3A_22 = arith.constant 0 : i32
      %dma_wait3A_23 = tpu.memref_slice %arg5[%arg1, %dma_wait3A_21, %dma_wait3A_22] : memref<16x82x128xi32, #tpu.memory_space<hbm>> -> memref<1x82x128xi32, #tpu.memory_space<hbm>>
      %dma_wait3A_24 = tpu.memref_squeeze %dma_wait3A_23 : memref<1x82x128xi32, #tpu.memory_space<hbm>> -> memref<82x128xi32, #tpu.memory_space<hbm>>
      tpu.wait_dma2 semaphore(%run_scoped3A : memref<!tpu.dma_semaphore, #tpu.memory_space<semaphore_mem>>) src(%dma_wait3A_24 : memref<82x128xi32, #tpu.memory_space<hbm>>) dst(%arg8 : memref<82x128xi32, #tpu.memory_space<vmem>>)
      tpu.yield
    }) : () -> ()
    %barrier3A = arith.constant 0 : index
    tpu.barrier barrier_id(%barrier3A)
    %scan3A = arith.constant 0 : i32
    %scan3A_5 = arith.constant 0 : i32
    %scan3A_6 = arith.constant 82 : i32
    %scan3A_7 = arith.addi %scan3A_5, %scan3A_6 : i32
    %scan3A_8 = arith.constant 1 : i32
    scf.for %scan3A_11 = %scan3A_5 to %scan3A_7 step %scan3A_8  : i32 {
      %mul3A_12 = arith.constant 128 : i32
      %mul3A_13 = arith.muli %scan3A_11, %mul3A_12 : i32
      %add3A = arith.constant 0 : i32
      %add3A_14 = arith.addi %mul3A_13, %add3A : i32
      %get3A = arith.index_cast %add3A_14 : i32 to index
      %get3A_15 = tpu.vector_load %arg7[%get3A] {strides = array<i32>} : memref<10496xi32, #tpu.memory_space<vmem>>, vector<16xi32>,
      %get3A_16 = vector.shape_cast %get3A_15 : vector<16xi32> to vector<16xi32>
      %mul3A_17 = arith.constant 2 : i32
      %mul3A_18 = vector.broadcast %mul3A_17 : i32 to vector<16xi32>
      %mul3A_19 = arith.muli %get3A_16, %mul3A_18 : vector<16xi32>
      %add3A_20 = vector.broadcast %arg0 : i32 to vector<16xi32>
      %add3A_21 = arith.addi %mul3A_19, %add3A_20 : vector<16xi32>
      %swap3A = arith.constant 0 : index
      %swap3A_22 = tpu.vector_load %arg9[%swap3A] {strides = array<i32>} : memref<128xi32, #tpu.memory_space<vmem>>, vector<16xi32>,
      %swap3A_23 = vector.shape_cast %swap3A_22 : vector<16xi32> to vector<16xi32>
      %swap3A_24 = vector.shape_cast %add3A_21 : vector<16xi32> to vector<16xi32>
      tpu.vector_store %arg9[%swap3A], %swap3A_24 {strides = array<i32>} : memref<128xi32, #tpu.memory_space<vmem>>, vector<16xi32>,
      %mul3A_25 = arith.constant 128 : i32
      %mul3A_26 = arith.muli %scan3A_11, %mul3A_25 : i32
      %add3A_27 = arith.constant 16 : i32
      %add3A_28 = arith.addi %mul3A_26, %add3A_27 : i32
      %get3A_29 = arith.index_cast %add3A_28 : i32 to index
      %get3A_30 = tpu.vector_load %arg7[%get3A_29] {strides = array<i32>} : memref<10496xi32, #tpu.memory_space<vmem>>, vector<16xi32>,
      %get3A_31 = vector.shape_cast %get3A_30 : vector<16xi32> to vector<16xi32>
      %mul3A_32 = arith.constant 2 : i32
      %mul3A_33 = vector.broadcast %mul3A_32 : i32 to vector<16xi32>
      %mul3A_34 = arith.muli %get3A_31, %mul3A_33 : vector<16xi32>
      %add3A_35 = vector.broadcast %arg0 : i32 to vector<16xi32>
      %add3A_36 = arith.addi %mul3A_34, %add3A_35 : vector<16xi32>
      %swap3A_37 = arith.constant 16 : index
      %swap3A_38 = tpu.vector_load %arg9[%swap3A_37] {strides = array<i32>} : memref<128xi32, #tpu.memory_space<vmem>>, vector<16xi32>,
      %swap3A_39 = vector.shape_cast %swap3A_38 : vector<16xi32> to vector<16xi32>
      %swap3A_40 = vector.shape_cast %add3A_36 : vector<16xi32> to vector<16xi32>
      tpu.vector_store %arg9[%swap3A_37], %swap3A_40 {strides = array<i32>} : memref<128xi32, #tpu.memory_space<vmem>>, vector<16xi32>,
      %mul3A_41 = arith.constant 128 : i32
      %mul3A_42 = arith.muli %scan3A_11, %mul3A_41 : i32
      %add3A_43 = arith.constant 32 : i32
      %add3A_44 = arith.addi %mul3A_42, %add3A_43 : i32
      %get3A_45 = arith.index_cast %add3A_44 : i32 to index
      %get3A_46 = tpu.vector_load %arg7[%get3A_45] {strides = array<i32>} : memref<10496xi32, #tpu.memory_space<vmem>>, vector<16xi32>,
      %get3A_47 = vector.shape_cast %get3A_46 : vector<16xi32> to vector<16xi32>
      %mul3A_48 = arith.constant 2 : i32
      %mul3A_49 = vector.broadcast %mul3A_48 : i32 to vector<16xi32>
      %mul3A_50 = arith.muli %get3A_47, %mul3A_49 : vector<16xi32>
      %add3A_51 = vector.broadcast %arg0 : i32 to vector<16xi32>
      %add3A_52 = arith.addi %mul3A_50, %add3A_51 : vector<16xi32>
      %swap3A_53 = arith.constant 32 : index
      %swap3A_54 = tpu.vector_load %arg9[%swap3A_53] {strides = array<i32>} : memref<128xi32, #tpu.memory_space<vmem>>, vector<16xi32>,
      %swap3A_55 = vector.shape_cast %swap3A_54 : vector<16xi32> to vector<16xi32>
      %swap3A_56 = vector.shape_cast %add3A_52 : vector<16xi32> to vector<16xi32>
      tpu.vector_store %arg9[%swap3A_53], %swap3A_56 {strides = array<i32>} : memref<128xi32, #tpu.memory_space<vmem>>, vector<16xi32>,
      %mul3A_57 = arith.constant 128 : i32
      %mul3A_58 = arith.muli %scan3A_11, %mul3A_57 : i32
      %add3A_59 = arith.constant 48 : i32
      %add3A_60 = arith.addi %mul3A_58, %add3A_59 : i32
      %get3A_61 = arith.index_cast %add3A_60 : i32 to index
      %get3A_62 = tpu.vector_load %arg7[%get3A_61] {strides = array<i32>} : memref<10496xi32, #tpu.memory_space<vmem>>, vector<16xi32>,
      %get3A_63 = vector.shape_cast %get3A_62 : vector<16xi32> to vector<16xi32>
      %mul3A_64 = arith.constant 2 : i32
      %mul3A_65 = vector.broadcast %mul3A_64 : i32 to vector<16xi32>
      %mul3A_66 = arith.muli %get3A_63, %mul3A_65 : vector<16xi32>
      %add3A_67 = vector.broadcast %arg0 : i32 to vector<16xi32>
      %add3A_68 = arith.addi %mul3A_66, %add3A_67 : vector<16xi32>
      %swap3A_69 = arith.constant 48 : index
      %swap3A_70 = tpu.vector_load %arg9[%swap3A_69] {strides = array<i32>} : memref<128xi32, #tpu.memory_space<vmem>>, vector<16xi32>,
      %swap3A_71 = vector.shape_cast %swap3A_70 : vector<16xi32> to vector<16xi32>
      %swap3A_72 = vector.shape_cast %add3A_68 : vector<16xi32> to vector<16xi32>
      tpu.vector_store %arg9[%swap3A_69], %swap3A_72 {strides = array<i32>} : memref<128xi32, #tpu.memory_space<vmem>>, vector<16xi32>,
      %mul3A_73 = arith.constant 128 : i32
      %mul3A_74 = arith.muli %scan3A_11, %mul3A_73 : i32
      %add3A_75 = arith.constant 64 : i32
      %add3A_76 = arith.addi %mul3A_74, %add3A_75 : i32
      %get3A_77 = arith.index_cast %add3A_76 : i32 to index
      %get3A_78 = tpu.vector_load %arg7[%get3A_77] {strides = array<i32>} : memref<10496xi32, #tpu.memory_space<vmem>>, vector<16xi32>,
      %get3A_79 = vector.shape_cast %get3A_78 : vector<16xi32> to vector<16xi32>
      %mul3A_80 = arith.constant 2 : i32
      %mul3A_81 = vector.broadcast %mul3A_80 : i32 to vector<16xi32>
      %mul3A_82 = arith.muli %get3A_79, %mul3A_81 : vector<16xi32>
      %add3A_83 = vector.broadcast %arg0 : i32 to vector<16xi32>
      %add3A_84 = arith.addi %mul3A_82, %add3A_83 : vector<16xi32>
      %swap3A_85 = arith.constant 64 : index
      %swap3A_86 = tpu.vector_load %arg9[%swap3A_85] {strides = array<i32>} : memref<128xi32, #tpu.memory_space<vmem>>, vector<16xi32>,
      %swap3A_87 = vector.shape_cast %swap3A_86 : vector<16xi32> to vector<16xi32>
      %swap3A_88 = vector.shape_cast %add3A_84 : vector<16xi32> to vector<16xi32>
      tpu.vector_store %arg9[%swap3A_85], %swap3A_88 {strides = array<i32>} : memref<128xi32, #tpu.memory_space<vmem>>, vector<16xi32>,
      %mul3A_89 = arith.constant 128 : i32
      %mul3A_90 = arith.muli %scan3A_11, %mul3A_89 : i32
      %add3A_91 = arith.constant 80 : i32
      %add3A_92 = arith.addi %mul3A_90, %add3A_91 : i32
      %get3A_93 = arith.index_cast %add3A_92 : i32 to index
      %get3A_94 = tpu.vector_load %arg7[%get3A_93] {strides = array<i32>} : memref<10496xi32, #tpu.memory_space<vmem>>, vector<16xi32>,
      %get3A_95 = vector.shape_cast %get3A_94 : vector<16xi32> to vector<16xi32>
      %mul3A_96 = arith.constant 2 : i32
      %mul3A_97 = vector.broadcast %mul3A_96 : i32 to vector<16xi32>
      %mul3A_98 = arith.muli %get3A_95, %mul3A_97 : vector<16xi32>
      %add3A_99 = vector.broadcast %arg0 : i32 to vector<16xi32>
      %add3A_100 = arith.addi %mul3A_98, %add3A_99 : vector<16xi32>
      %swap3A_101 = arith.constant 80 : index
      %swap3A_102 = tpu.vector_load %arg9[%swap3A_101] {strides = array<i32>} : memref<128xi32, #tpu.memory_space<vmem>>, vector<16xi32>,
      %swap3A_103 = vector.shape_cast %swap3A_102 : vector<16xi32> to vector<16xi32>
      %swap3A_104 = vector.shape_cast %add3A_100 : vector<16xi32> to vector<16xi32>
      tpu.vector_store %arg9[%swap3A_101], %swap3A_104 {strides = array<i32>} : memref<128xi32, #tpu.memory_space<vmem>>, vector<16xi32>,
      %mul3A_105 = arith.constant 128 : i32
      %mul3A_106 = arith.muli %scan3A_11, %mul3A_105 : i32
      %add3A_107 = arith.constant 96 : i32
      %add3A_108 = arith.addi %mul3A_106, %add3A_107 : i32
      %get3A_109 = arith.index_cast %add3A_108 : i32 to index
      %get3A_110 = tpu.vector_load %arg7[%get3A_109] {strides = array<i32>} : memref<10496xi32, #tpu.memory_space<vmem>>, vector<16xi32>,
      %get3A_111 = vector.shape_cast %get3A_110 : vector<16xi32> to vector<16xi32>
      %mul3A_112 = arith.constant 2 : i32
      %mul3A_113 = vector.broadcast %mul3A_112 : i32 to vector<16xi32>
      %mul3A_114 = arith.muli %get3A_111, %mul3A_113 : vector<16xi32>
      %add3A_115 = vector.broadcast %arg0 : i32 to vector<16xi32>
      %add3A_116 = arith.addi %mul3A_114, %add3A_115 : vector<16xi32>
      %swap3A_117 = arith.constant 96 : index
      %swap3A_118 = tpu.vector_load %arg9[%swap3A_117] {strides = array<i32>} : memref<128xi32, #tpu.memory_space<vmem>>, vector<16xi32>,
      %swap3A_119 = vector.shape_cast %swap3A_118 : vector<16xi32> to vector<16xi32>
      %swap3A_120 = vector.shape_cast %add3A_116 : vector<16xi32> to vector<16xi32>
      tpu.vector_store %arg9[%swap3A_117], %swap3A_120 {strides = array<i32>} : memref<128xi32, #tpu.memory_space<vmem>>, vector<16xi32>,
      %mul3A_121 = arith.constant 128 : i32
      %mul3A_122 = arith.muli %scan3A_11, %mul3A_121 : i32
      %add3A_123 = arith.constant 112 : i32
      %add3A_124 = arith.addi %mul3A_122, %add3A_123 : i32
      %get3A_125 = arith.index_cast %add3A_124 : i32 to index
      %get3A_126 = tpu.vector_load %arg7[%get3A_125] {strides = array<i32>} : memref<10496xi32, #tpu.memory_space<vmem>>, vector<16xi32>,
      %get3A_127 = vector.shape_cast %get3A_126 : vector<16xi32> to vector<16xi32>
      %mul3A_128 = arith.constant 2 : i32
      %mul3A_129 = vector.broadcast %mul3A_128 : i32 to vector<16xi32>
      %mul3A_130 = arith.muli %get3A_127, %mul3A_129 : vector<16xi32>
      %add3A_131 = vector.broadcast %arg0 : i32 to vector<16xi32>
      %add3A_132 = arith.addi %mul3A_130, %add3A_131 : vector<16xi32>
      %swap3A_133 = arith.constant 112 : index
      %swap3A_134 = tpu.vector_load %arg9[%swap3A_133] {strides = array<i32>} : memref<128xi32, #tpu.memory_space<vmem>>, vector<16xi32>,
      %swap3A_135 = vector.shape_cast %swap3A_134 : vector<16xi32> to vector<16xi32>
      %swap3A_136 = vector.shape_cast %add3A_132 : vector<16xi32> to vector<16xi32>
      tpu.vector_store %arg9[%swap3A_133], %swap3A_136 {strides = array<i32>} : memref<128xi32, #tpu.memory_space<vmem>>, vector<16xi32>,
      %dma_start3A = arith.constant 0 : i32
      %dma_start3A_137 = arith.constant 0 : i32
      %dma_start3A_138 = tpu.memref_slice %arg3[%dma_start3A, %dma_start3A_137] : memref<20000x128xf32, #tpu.memory_space<hbm>> -> memref<20000x128xf32, #tpu.memory_space<hbm>>
      tpu.enqueue_indirect_dma source(%dma_start3A_138 : memref<20000x128xf32, #tpu.memory_space<hbm>>) target(%arg10 : memref<128x128xf32, #tpu.memory_space<vmem>>) offsets(%arg9 : memref<128xi32, #tpu.memory_space<vmem>>) semaphore(%arg11 : memref<!tpu.dma_semaphore, #tpu.memory_space<semaphore_mem>>)
      %dma_wait3A = arith.constant 0 : i32
      %dma_wait3A_139 = arith.constant 0 : i32
      %dma_wait3A_140 = tpu.memref_slice %arg3[%dma_wait3A, %dma_wait3A_139] : memref<20000x128xf32, #tpu.memory_space<hbm>> -> memref<20000x128xf32, #tpu.memory_space<hbm>>
      tpu.wait_indirect_dma semaphore(%arg11 : memref<!tpu.dma_semaphore, #tpu.memory_space<semaphore_mem>>) src(%dma_wait3A_140 : memref<20000x128xf32, #tpu.memory_space<hbm>>) dst(%arg10 : memref<128x128xf32, #tpu.memory_space<vmem>>)
      "tpu.region"() ({
        %run_scoped3A = tpu.sem_alloc : memref<!tpu.dma_semaphore, #tpu.memory_space<semaphore_mem>>
        %dma_start3A_141 = arith.constant 0 : i32
        %dma_start3A_142 = tpu.memref_slice %arg8[%scan3A_11, %dma_start3A_141] : memref<82x128xi32, #tpu.memory_space<vmem>> -> memref<1x128xi32, #tpu.memory_space<vmem>>
        %dma_start3A_143 = tpu.memref_squeeze %dma_start3A_142 : memref<1x128xi32, #tpu.memory_space<vmem>> -> memref<128xi32, #tpu.memory_space<vmem>>
        %dma_start3A_144 = arith.constant 0 : i32
        %dma_start3A_145 = arith.constant 0 : i32
        %dma_start3A_146 = tpu.memref_slice %arg12[%dma_start3A_144, %dma_start3A_145] : memref<10016x128xf32, #tpu.memory_space<vmem_shared>> -> memref<10016x128xf32, #tpu.memory_space<vmem_shared>>
        tpu.enqueue_indirect_dma source(%arg10 : memref<128x128xf32, #tpu.memory_space<vmem>>) target(%dma_start3A_146 : memref<10016x128xf32, #tpu.memory_space<vmem_shared>>) offsets(%dma_start3A_143 : memref<128xi32, #tpu.memory_space<vmem>>) semaphore(%run_scoped3A : memref<!tpu.dma_semaphore, #tpu.memory_space<semaphore_mem>>) {add = true}
        %dma_wait3A_147 = arith.constant 0 : i32
        %dma_wait3A_148 = tpu.memref_slice %arg8[%scan3A_11, %dma_wait3A_147] : memref<82x128xi32, #tpu.memory_space<vmem>> -> memref<1x128xi32, #tpu.memory_space<vmem>>
        %dma_wait3A_149 = tpu.memref_squeeze %dma_wait3A_148 : memref<1x128xi32, #tpu.memory_space<vmem>> -> memref<128xi32, #tpu.memory_space<vmem>>
        %dma_wait3A_150 = arith.constant 0 : i32
        %dma_wait3A_151 = arith.constant 0 : i32
        %dma_wait3A_152 = tpu.memref_slice %arg12[%dma_wait3A_150, %dma_wait3A_151] : memref<10016x128xf32, #tpu.memory_space<vmem_shared>> -> memref<10016x128xf32, #tpu.memory_space<vmem_shared>>
        tpu.wait_indirect_dma semaphore(%run_scoped3A : memref<!tpu.dma_semaphore, #tpu.memory_space<semaphore_mem>>) src(%arg10 : memref<128x128xf32, #tpu.memory_space<vmem>>) dst(%dma_wait3A_152 : memref<10016x128xf32, #tpu.memory_space<vmem_shared>>)
        tpu.yield
      }) : () -> ()
    }
    %scan3A_9 = arith.constant 82 : i32
    %barrier3A_10 = arith.constant 0 : index
    tpu.barrier barrier_id(%barrier3A_10)
    "tpu.region"() ({
      %run_scoped3A = tpu.sem_alloc : memref<!tpu.dma_semaphore, #tpu.memory_space<semaphore_mem>>
      %dma_start3A = arith.constant 0 : i32
      %dma_start3A_11 = arith.constant 0 : i32
      %dma_start3A_12 = tpu.memref_slice %arg6[%arg0, %arg1, %dma_start3A, %dma_start3A_11] : memref<2x16x625x128xf32, #tpu.memory_space<hbm>> -> memref<1x1x625x128xf32, #tpu.memory_space<hbm>>
      %dma_start3A_13 = tpu.memref_squeeze %dma_start3A_12 : memref<1x1x625x128xf32, #tpu.memory_space<hbm>> -> memref<625x128xf32, #tpu.memory_space<hbm>>
      %dma_start3A_14 = arith.constant 0 : i32
      %dma_start3A_15 = tpu.memref_slice %arg12[%mul3A_0, %dma_start3A_14] : memref<10016x128xf32, #tpu.memory_space<vmem_shared>> -> memref<625x128xf32, #tpu.memory_space<vmem_shared>>
      tpu.enqueue_dma source(%dma_start3A_15 : memref<625x128xf32, #tpu.memory_space<vmem_shared>>) target(%dma_start3A_13 : memref<625x128xf32, #tpu.memory_space<hbm>>) target_semaphore(%run_scoped3A : memref<!tpu.dma_semaphore, #tpu.memory_space<semaphore_mem>>)
      %dma_wait3A = arith.constant 0 : i32
      %dma_wait3A_16 = arith.constant 0 : i32
      %dma_wait3A_17 = tpu.memref_slice %arg6[%arg0, %arg1, %dma_wait3A, %dma_wait3A_16] : memref<2x16x625x128xf32, #tpu.memory_space<hbm>> -> memref<1x1x625x128xf32, #tpu.memory_space<hbm>>
      %dma_wait3A_18 = tpu.memref_squeeze %dma_wait3A_17 : memref<1x1x625x128xf32, #tpu.memory_space<hbm>> -> memref<625x128xf32, #tpu.memory_space<hbm>>
      %dma_wait3A_19 = arith.constant 0 : i32
      %dma_wait3A_20 = tpu.memref_slice %arg12[%mul3A_0, %dma_wait3A_19] : memref<10016x128xf32, #tpu.memory_space<vmem_shared>> -> memref<625x128xf32, #tpu.memory_space<vmem_shared>>
      tpu.wait_dma2 semaphore(%run_scoped3A : memref<!tpu.dma_semaphore, #tpu.memory_space<semaphore_mem>>) src(%dma_wait3A_20 : memref<625x128xf32, #tpu.memory_space<vmem_shared>>) dst(%dma_wait3A_18 : memref<625x128xf32, #tpu.memory_space<hbm>>)
      tpu.yield
    }) : () -> ()
    return
  }
}

#map = affine_map<(d0, d1) -> (0, 0, 0)>
#map1 = affine_map<(d0, d1) -> (0, 0)>
#map2 = affine_map<(d0, d1) -> (0)>
#map3 = affine_map<(d0, d1) -> (0, 0, 0, 0)>
module attributes {stable_mosaic.version = 14 : i64} {
  func.func @_sc_body(%arg0: i32, %arg1: i32, %arg2: memref<16x625x256xf32, #tpu.memory_space<hbm>>, %arg3: memref<20000x128xf32, #tpu.memory_space<hbm>>, %arg4: memref<167936xi32, #tpu.memory_space<hbm>>, %arg5: memref<16x82x128xi32, #tpu.memory_space<hbm>>, %arg6: memref<2x16x625x128xf32, #tpu.memory_space<hbm>>, %arg7: memref<10496xi32, #tpu.memory_space<vmem>>, %arg8: memref<82x128xi32, #tpu.memory_space<vmem>>, %arg9: memref<128xi32, #tpu.memory_space<vmem>>, %arg10: memref<128x128xf32, #tpu.memory_space<vmem>>, %arg11: memref<!tpu.dma_semaphore, #tpu.memory_space<semaphore_mem>>, %arg12: memref<10016x128xf32, #tpu.memory_space<vmem_shared>>) attributes {dimension_semantics = [#tpu.dimension_semantics<core_parallel>, #tpu.dimension_semantics<subcore_parallel>], iteration_bounds = array<i64: 2, 16>, scalar_prefetch = 0 : i64, scratch_operands = 6 : i64, tpu.core_type = #tpu.core_type<sc_vector_subcore>, window_params = [{transform_indices = #map}, {transform_indices = #map1}, {transform_indices = #map2}, {transform_indices = #map}, {transform_indices = #map3}]} {
    %mul3A = arith.constant 625 : i32
    %mul3A_0 = arith.muli %arg1, %mul3A : i32
    %mul3A_1 = arith.constant 128 : i32
    %mul3A_2 = arith.muli %arg0, %mul3A_1 : i32
    "tpu.region"() ({
      %run_scoped3A = tpu.sem_alloc : memref<!tpu.dma_semaphore, #tpu.memory_space<semaphore_mem>>
      %dma_start3A = arith.constant 0 : i32
      %dma_start3A_11 = tpu.memref_slice %arg12[%mul3A_0, %dma_start3A] : memref<10016x128xf32, #tpu.memory_space<vmem_shared>> -> memref<625x128xf32, #tpu.memory_space<vmem_shared>>
      %dma_start3A_12 = arith.constant 0 : i32
      %dma_start3A_13 = tpu.memref_slice %arg2[%arg1, %dma_start3A_12, %mul3A_2] : memref<16x625x256xf32, #tpu.memory_space<hbm>> -> memref<1x625x128xf32, #tpu.memory_space<hbm>>
      %dma_start3A_14 = tpu.memref_squeeze %dma_start3A_13 : memref<1x625x128xf32, #tpu.memory_space<hbm>> -> memref<625x128xf32, #tpu.memory_space<hbm>>
      tpu.enqueue_dma source(%dma_start3A_14 : memref<625x128xf32, #tpu.memory_space<hbm>>) target(%dma_start3A_11 : memref<625x128xf32, #tpu.memory_space<vmem_shared>>) target_semaphore(%run_scoped3A : memref<!tpu.dma_semaphore, #tpu.memory_space<semaphore_mem>>)
      %dma_wait3A = arith.constant 0 : i32
      %dma_wait3A_15 = tpu.memref_slice %arg12[%mul3A_0, %dma_wait3A] : memref<10016x128xf32, #tpu.memory_space<vmem_shared>> -> memref<625x128xf32, #tpu.memory_space<vmem_shared>>
      %dma_wait3A_16 = arith.constant 0 : i32
      %dma_wait3A_17 = tpu.memref_slice %arg2[%arg1, %dma_wait3A_16, %mul3A_2] : memref<16x625x256xf32, #tpu.memory_space<hbm>> -> memref<1x625x128xf32, #tpu.memory_space<hbm>>
      %dma_wait3A_18 = tpu.memref_squeeze %dma_wait3A_17 : memref<1x625x128xf32, #tpu.memory_space<hbm>> -> memref<625x128xf32, #tpu.memory_space<hbm>>
      tpu.wait_dma2 semaphore(%run_scoped3A : memref<!tpu.dma_semaphore, #tpu.memory_space<semaphore_mem>>) src(%dma_wait3A_18 : memref<625x128xf32, #tpu.memory_space<hbm>>) dst(%dma_wait3A_15 : memref<625x128xf32, #tpu.memory_space<vmem_shared>>)
      tpu.yield
    }) : () -> ()
    %mul3A_3 = arith.constant 10496 : i32
    %mul3A_4 = arith.muli %arg1, %mul3A_3 : i32
    "tpu.region"() ({
      %run_scoped3A = tpu.sem_alloc : memref<!tpu.dma_semaphore, #tpu.memory_space<semaphore_mem>>
      %dma_start3A = tpu.memref_slice %arg4[%mul3A_4] : memref<167936xi32, #tpu.memory_space<hbm>> -> memref<10496xi32, #tpu.memory_space<hbm>>
      %dma_start3A_11 = tpu.memref_slice %arg4[%mul3A_4] : memref<167936xi32, #tpu.memory_space<hbm>> -> memref<10496xi32, #tpu.memory_space<hbm>>
      tpu.enqueue_dma source(%dma_start3A_11 : memref<10496xi32, #tpu.memory_space<hbm>>) target(%arg7 : memref<10496xi32, #tpu.memory_space<vmem>>) target_semaphore(%run_scoped3A : memref<!tpu.dma_semaphore, #tpu.memory_space<semaphore_mem>>)
      %dma_wait3A = tpu.memref_slice %arg4[%mul3A_4] : memref<167936xi32, #tpu.memory_space<hbm>> -> memref<10496xi32, #tpu.memory_space<hbm>>
      %dma_wait3A_12 = tpu.memref_slice %arg4[%mul3A_4] : memref<167936xi32, #tpu.memory_space<hbm>> -> memref<10496xi32, #tpu.memory_space<hbm>>
      tpu.wait_dma2 semaphore(%run_scoped3A : memref<!tpu.dma_semaphore, #tpu.memory_space<semaphore_mem>>) src(%dma_wait3A_12 : memref<10496xi32, #tpu.memory_space<hbm>>) dst(%arg7 : memref<10496xi32, #tpu.memory_space<vmem>>)
      tpu.yield
    }) : () -> ()
    "tpu.region"() ({
      %run_scoped3A = tpu.sem_alloc : memref<!tpu.dma_semaphore, #tpu.memory_space<semaphore_mem>>
      %dma_start3A = arith.constant 0 : i32
      %dma_start3A_11 = arith.constant 0 : i32
      %dma_start3A_12 = tpu.memref_slice %arg5[%arg1, %dma_start3A, %dma_start3A_11] : memref<16x82x128xi32, #tpu.memory_space<hbm>> -> memref<1x82x128xi32, #tpu.memory_space<hbm>>
      %dma_start3A_13 = tpu.memref_squeeze %dma_start3A_12 : memref<1x82x128xi32, #tpu.memory_space<hbm>> -> memref<82x128xi32, #tpu.memory_space<hbm>>
      %dma_start3A_14 = arith.constant 0 : i32
      %dma_start3A_15 = arith.constant 0 : i32
      %dma_start3A_16 = tpu.memref_slice %arg5[%arg1, %dma_start3A_14, %dma_start3A_15] : memref<16x82x128xi32, #tpu.memory_space<hbm>> -> memref<1x82x128xi32, #tpu.memory_space<hbm>>
      %dma_start3A_17 = tpu.memref_squeeze %dma_start3A_16 : memref<1x82x128xi32, #tpu.memory_space<hbm>> -> memref<82x128xi32, #tpu.memory_space<hbm>>
      tpu.enqueue_dma source(%dma_start3A_17 : memref<82x128xi32, #tpu.memory_space<hbm>>) target(%arg8 : memref<82x128xi32, #tpu.memory_space<vmem>>) target_semaphore(%run_scoped3A : memref<!tpu.dma_semaphore, #tpu.memory_space<semaphore_mem>>)
      %dma_wait3A = arith.constant 0 : i32
      %dma_wait3A_18 = arith.constant 0 : i32
      %dma_wait3A_19 = tpu.memref_slice %arg5[%arg1, %dma_wait3A, %dma_wait3A_18] : memref<16x82x128xi32, #tpu.memory_space<hbm>> -> memref<1x82x128xi32, #tpu.memory_space<hbm>>
      %dma_wait3A_20 = tpu.memref_squeeze %dma_wait3A_19 : memref<1x82x128xi32, #tpu.memory_space<hbm>> -> memref<82x128xi32, #tpu.memory_space<hbm>>
      %dma_wait3A_21 = arith.constant 0 : i32
      %dma_wait3A_22 = arith.constant 0 : i32
      %dma_wait3A_23 = tpu.memref_slice %arg5[%arg1, %dma_wait3A_21, %dma_wait3A_22] : memref<16x82x128xi32, #tpu.memory_space<hbm>> -> memref<1x82x128xi32, #tpu.memory_space<hbm>>
      %dma_wait3A_24 = tpu.memref_squeeze %dma_wait3A_23 : memref<1x82x128xi32, #tpu.memory_space<hbm>> -> memref<82x128xi32, #tpu.memory_space<hbm>>
      tpu.wait_dma2 semaphore(%run_scoped3A : memref<!tpu.dma_semaphore, #tpu.memory_space<semaphore_mem>>) src(%dma_wait3A_24 : memref<82x128xi32, #tpu.memory_space<hbm>>) dst(%arg8 : memref<82x128xi32, #tpu.memory_space<vmem>>)
      tpu.yield
    }) : () -> ()
    %barrier3A = arith.constant 0 : index
    tpu.barrier barrier_id(%barrier3A)
    %scan3A = arith.constant 0 : i32
    %scan3A_5 = arith.constant 0 : i32
    %scan3A_6 = arith.constant 82 : i32
    %scan3A_7 = arith.addi %scan3A_5, %scan3A_6 : i32
    %scan3A_8 = arith.constant 1 : i32
    scf.for %scan3A_11 = %scan3A_5 to %scan3A_7 step %scan3A_8  : i32 {
      %mul3A_12 = arith.constant 128 : i32
      %mul3A_13 = arith.muli %scan3A_11, %mul3A_12 : i32
      %add3A = arith.constant 0 : i32
      %add3A_14 = arith.addi %mul3A_13, %add3A : i32
      %get3A = arith.index_cast %add3A_14 : i32 to index
      %get3A_15 = tpu.vector_load %arg7[%get3A] {strides = array<i32>} : memref<10496xi32, #tpu.memory_space<vmem>>, vector<16xi32>,
      %get3A_16 = vector.shape_cast %get3A_15 : vector<16xi32> to vector<16xi32>
      %mul3A_17 = arith.constant 2 : i32
      %mul3A_18 = vector.broadcast %mul3A_17 : i32 to vector<16xi32>
      %mul3A_19 = arith.muli %get3A_16, %mul3A_18 : vector<16xi32>
      %add3A_20 = vector.broadcast %arg0 : i32 to vector<16xi32>
      %add3A_21 = arith.addi %mul3A_19, %add3A_20 : vector<16xi32>
      %swap3A = arith.constant 0 : index
      %swap3A_22 = tpu.vector_load %arg9[%swap3A] {strides = array<i32>} : memref<128xi32, #tpu.memory_space<vmem>>, vector<16xi32>,
      %swap3A_23 = vector.shape_cast %swap3A_22 : vector<16xi32> to vector<16xi32>
      %swap3A_24 = vector.shape_cast %add3A_21 : vector<16xi32> to vector<16xi32>
      tpu.vector_store %arg9[%swap3A], %swap3A_24 {strides = array<i32>} : memref<128xi32, #tpu.memory_space<vmem>>, vector<16xi32>,
      %mul3A_25 = arith.constant 128 : i32
      %mul3A_26 = arith.muli %scan3A_11, %mul3A_25 : i32
      %add3A_27 = arith.constant 16 : i32
      %add3A_28 = arith.addi %mul3A_26, %add3A_27 : i32
      %get3A_29 = arith.index_cast %add3A_28 : i32 to index
      %get3A_30 = tpu.vector_load %arg7[%get3A_29] {strides = array<i32>} : memref<10496xi32, #tpu.memory_space<vmem>>, vector<16xi32>,
      %get3A_31 = vector.shape_cast %get3A_30 : vector<16xi32> to vector<16xi32>
      %mul3A_32 = arith.constant 2 : i32
      %mul3A_33 = vector.broadcast %mul3A_32 : i32 to vector<16xi32>
      %mul3A_34 = arith.muli %get3A_31, %mul3A_33 : vector<16xi32>
      %add3A_35 = vector.broadcast %arg0 : i32 to vector<16xi32>
      %add3A_36 = arith.addi %mul3A_34, %add3A_35 : vector<16xi32>
      %swap3A_37 = arith.constant 16 : index
      %swap3A_38 = tpu.vector_load %arg9[%swap3A_37] {strides = array<i32>} : memref<128xi32, #tpu.memory_space<vmem>>, vector<16xi32>,
      %swap3A_39 = vector.shape_cast %swap3A_38 : vector<16xi32> to vector<16xi32>
      %swap3A_40 = vector.shape_cast %add3A_36 : vector<16xi32> to vector<16xi32>
      tpu.vector_store %arg9[%swap3A_37], %swap3A_40 {strides = array<i32>} : memref<128xi32, #tpu.memory_space<vmem>>, vector<16xi32>,
      %mul3A_41 = arith.constant 128 : i32
      %mul3A_42 = arith.muli %scan3A_11, %mul3A_41 : i32
      %add3A_43 = arith.constant 32 : i32
      %add3A_44 = arith.addi %mul3A_42, %add3A_43 : i32
      %get3A_45 = arith.index_cast %add3A_44 : i32 to index
      %get3A_46 = tpu.vector_load %arg7[%get3A_45] {strides = array<i32>} : memref<10496xi32, #tpu.memory_space<vmem>>, vector<16xi32>,
      %get3A_47 = vector.shape_cast %get3A_46 : vector<16xi32> to vector<16xi32>
      %mul3A_48 = arith.constant 2 : i32
      %mul3A_49 = vector.broadcast %mul3A_48 : i32 to vector<16xi32>
      %mul3A_50 = arith.muli %get3A_47, %mul3A_49 : vector<16xi32>
      %add3A_51 = vector.broadcast %arg0 : i32 to vector<16xi32>
      %add3A_52 = arith.addi %mul3A_50, %add3A_51 : vector<16xi32>
      %swap3A_53 = arith.constant 32 : index
      %swap3A_54 = tpu.vector_load %arg9[%swap3A_53] {strides = array<i32>} : memref<128xi32, #tpu.memory_space<vmem>>, vector<16xi32>,
      %swap3A_55 = vector.shape_cast %swap3A_54 : vector<16xi32> to vector<16xi32>
      %swap3A_56 = vector.shape_cast %add3A_52 : vector<16xi32> to vector<16xi32>
      tpu.vector_store %arg9[%swap3A_53], %swap3A_56 {strides = array<i32>} : memref<128xi32, #tpu.memory_space<vmem>>, vector<16xi32>,
      %mul3A_57 = arith.constant 128 : i32
      %mul3A_58 = arith.muli %scan3A_11, %mul3A_57 : i32
      %add3A_59 = arith.constant 48 : i32
      %add3A_60 = arith.addi %mul3A_58, %add3A_59 : i32
      %get3A_61 = arith.index_cast %add3A_60 : i32 to index
      %get3A_62 = tpu.vector_load %arg7[%get3A_61] {strides = array<i32>} : memref<10496xi32, #tpu.memory_space<vmem>>, vector<16xi32>,
      %get3A_63 = vector.shape_cast %get3A_62 : vector<16xi32> to vector<16xi32>
      %mul3A_64 = arith.constant 2 : i32
      %mul3A_65 = vector.broadcast %mul3A_64 : i32 to vector<16xi32>
      %mul3A_66 = arith.muli %get3A_63, %mul3A_65 : vector<16xi32>
      %add3A_67 = vector.broadcast %arg0 : i32 to vector<16xi32>
      %add3A_68 = arith.addi %mul3A_66, %add3A_67 : vector<16xi32>
      %swap3A_69 = arith.constant 48 : index
      %swap3A_70 = tpu.vector_load %arg9[%swap3A_69] {strides = array<i32>} : memref<128xi32, #tpu.memory_space<vmem>>, vector<16xi32>,
      %swap3A_71 = vector.shape_cast %swap3A_70 : vector<16xi32> to vector<16xi32>
      %swap3A_72 = vector.shape_cast %add3A_68 : vector<16xi32> to vector<16xi32>
      tpu.vector_store %arg9[%swap3A_69], %swap3A_72 {strides = array<i32>} : memref<128xi32, #tpu.memory_space<vmem>>, vector<16xi32>,
      %mul3A_73 = arith.constant 128 : i32
      %mul3A_74 = arith.muli %scan3A_11, %mul3A_73 : i32
      %add3A_75 = arith.constant 64 : i32
      %add3A_76 = arith.addi %mul3A_74, %add3A_75 : i32
      %get3A_77 = arith.index_cast %add3A_76 : i32 to index
      %get3A_78 = tpu.vector_load %arg7[%get3A_77] {strides = array<i32>} : memref<10496xi32, #tpu.memory_space<vmem>>, vector<16xi32>,
      %get3A_79 = vector.shape_cast %get3A_78 : vector<16xi32> to vector<16xi32>
      %mul3A_80 = arith.constant 2 : i32
      %mul3A_81 = vector.broadcast %mul3A_80 : i32 to vector<16xi32>
      %mul3A_82 = arith.muli %get3A_79, %mul3A_81 : vector<16xi32>
      %add3A_83 = vector.broadcast %arg0 : i32 to vector<16xi32>
      %add3A_84 = arith.addi %mul3A_82, %add3A_83 : vector<16xi32>
      %swap3A_85 = arith.constant 64 : index
      %swap3A_86 = tpu.vector_load %arg9[%swap3A_85] {strides = array<i32>} : memref<128xi32, #tpu.memory_space<vmem>>, vector<16xi32>,
      %swap3A_87 = vector.shape_cast %swap3A_86 : vector<16xi32> to vector<16xi32>
      %swap3A_88 = vector.shape_cast %add3A_84 : vector<16xi32> to vector<16xi32>
      tpu.vector_store %arg9[%swap3A_85], %swap3A_88 {strides = array<i32>} : memref<128xi32, #tpu.memory_space<vmem>>, vector<16xi32>,
      %mul3A_89 = arith.constant 128 : i32
      %mul3A_90 = arith.muli %scan3A_11, %mul3A_89 : i32
      %add3A_91 = arith.constant 80 : i32
      %add3A_92 = arith.addi %mul3A_90, %add3A_91 : i32
      %get3A_93 = arith.index_cast %add3A_92 : i32 to index
      %get3A_94 = tpu.vector_load %arg7[%get3A_93] {strides = array<i32>} : memref<10496xi32, #tpu.memory_space<vmem>>, vector<16xi32>,
      %get3A_95 = vector.shape_cast %get3A_94 : vector<16xi32> to vector<16xi32>
      %mul3A_96 = arith.constant 2 : i32
      %mul3A_97 = vector.broadcast %mul3A_96 : i32 to vector<16xi32>
      %mul3A_98 = arith.muli %get3A_95, %mul3A_97 : vector<16xi32>
      %add3A_99 = vector.broadcast %arg0 : i32 to vector<16xi32>
      %add3A_100 = arith.addi %mul3A_98, %add3A_99 : vector<16xi32>
      %swap3A_101 = arith.constant 80 : index
      %swap3A_102 = tpu.vector_load %arg9[%swap3A_101] {strides = array<i32>} : memref<128xi32, #tpu.memory_space<vmem>>, vector<16xi32>,
      %swap3A_103 = vector.shape_cast %swap3A_102 : vector<16xi32> to vector<16xi32>
      %swap3A_104 = vector.shape_cast %add3A_100 : vector<16xi32> to vector<16xi32>
      tpu.vector_store %arg9[%swap3A_101], %swap3A_104 {strides = array<i32>} : memref<128xi32, #tpu.memory_space<vmem>>, vector<16xi32>,
      %mul3A_105 = arith.constant 128 : i32
      %mul3A_106 = arith.muli %scan3A_11, %mul3A_105 : i32
      %add3A_107 = arith.constant 96 : i32
      %add3A_108 = arith.addi %mul3A_106, %add3A_107 : i32
      %get3A_109 = arith.index_cast %add3A_108 : i32 to index
      %get3A_110 = tpu.vector_load %arg7[%get3A_109] {strides = array<i32>} : memref<10496xi32, #tpu.memory_space<vmem>>, vector<16xi32>,
      %get3A_111 = vector.shape_cast %get3A_110 : vector<16xi32> to vector<16xi32>
      %mul3A_112 = arith.constant 2 : i32
      %mul3A_113 = vector.broadcast %mul3A_112 : i32 to vector<16xi32>
      %mul3A_114 = arith.muli %get3A_111, %mul3A_113 : vector<16xi32>
      %add3A_115 = vector.broadcast %arg0 : i32 to vector<16xi32>
      %add3A_116 = arith.addi %mul3A_114, %add3A_115 : vector<16xi32>
      %swap3A_117 = arith.constant 96 : index
      %swap3A_118 = tpu.vector_load %arg9[%swap3A_117] {strides = array<i32>} : memref<128xi32, #tpu.memory_space<vmem>>, vector<16xi32>,
      %swap3A_119 = vector.shape_cast %swap3A_118 : vector<16xi32> to vector<16xi32>
      %swap3A_120 = vector.shape_cast %add3A_116 : vector<16xi32> to vector<16xi32>
      tpu.vector_store %arg9[%swap3A_117], %swap3A_120 {strides = array<i32>} : memref<128xi32, #tpu.memory_space<vmem>>, vector<16xi32>,
      %mul3A_121 = arith.constant 128 : i32
      %mul3A_122 = arith.muli %scan3A_11, %mul3A_121 : i32
      %add3A_123 = arith.constant 112 : i32
      %add3A_124 = arith.addi %mul3A_122, %add3A_123 : i32
      %get3A_125 = arith.index_cast %add3A_124 : i32 to index
      %get3A_126 = tpu.vector_load %arg7[%get3A_125] {strides = array<i32>} : memref<10496xi32, #tpu.memory_space<vmem>>, vector<16xi32>,
      %get3A_127 = vector.shape_cast %get3A_126 : vector<16xi32> to vector<16xi32>
      %mul3A_128 = arith.constant 2 : i32
      %mul3A_129 = vector.broadcast %mul3A_128 : i32 to vector<16xi32>
      %mul3A_130 = arith.muli %get3A_127, %mul3A_129 : vector<16xi32>
      %add3A_131 = vector.broadcast %arg0 : i32 to vector<16xi32>
      %add3A_132 = arith.addi %mul3A_130, %add3A_131 : vector<16xi32>
      %swap3A_133 = arith.constant 112 : index
      %swap3A_134 = tpu.vector_load %arg9[%swap3A_133] {strides = array<i32>} : memref<128xi32, #tpu.memory_space<vmem>>, vector<16xi32>,
      %swap3A_135 = vector.shape_cast %swap3A_134 : vector<16xi32> to vector<16xi32>
      %swap3A_136 = vector.shape_cast %add3A_132 : vector<16xi32> to vector<16xi32>
      tpu.vector_store %arg9[%swap3A_133], %swap3A_136 {strides = array<i32>} : memref<128xi32, #tpu.memory_space<vmem>>, vector<16xi32>,
      %dma_start3A = arith.constant 0 : i32
      %dma_start3A_137 = arith.constant 0 : i32
      %dma_start3A_138 = tpu.memref_slice %arg3[%dma_start3A, %dma_start3A_137] : memref<20000x128xf32, #tpu.memory_space<hbm>> -> memref<20000x128xf32, #tpu.memory_space<hbm>>
      tpu.enqueue_indirect_dma source(%dma_start3A_138 : memref<20000x128xf32, #tpu.memory_space<hbm>>) target(%arg10 : memref<128x128xf32, #tpu.memory_space<vmem>>) offsets(%arg9 : memref<128xi32, #tpu.memory_space<vmem>>) semaphore(%arg11 : memref<!tpu.dma_semaphore, #tpu.memory_space<semaphore_mem>>)
      %dma_wait3A = arith.constant 0 : i32
      %dma_wait3A_139 = arith.constant 0 : i32
      %dma_wait3A_140 = tpu.memref_slice %arg3[%dma_wait3A, %dma_wait3A_139] : memref<20000x128xf32, #tpu.memory_space<hbm>> -> memref<20000x128xf32, #tpu.memory_space<hbm>>
      tpu.wait_indirect_dma semaphore(%arg11 : memref<!tpu.dma_semaphore, #tpu.memory_space<semaphore_mem>>) src(%dma_wait3A_140 : memref<20000x128xf32, #tpu.memory_space<hbm>>) dst(%arg10 : memref<128x128xf32, #tpu.memory_space<vmem>>)
      "tpu.region"() ({
        %run_scoped3A = tpu.sem_alloc : memref<!tpu.dma_semaphore, #tpu.memory_space<semaphore_mem>>
        %dma_start3A_141 = arith.constant 0 : i32
        %dma_start3A_142 = tpu.memref_slice %arg8[%scan3A_11, %dma_start3A_141] : memref<82x128xi32, #tpu.memory_space<vmem>> -> memref<1x128xi32, #tpu.memory_space<vmem>>
        %dma_start3A_143 = tpu.memref_squeeze %dma_start3A_142 : memref<1x128xi32, #tpu.memory_space<vmem>> -> memref<128xi32, #tpu.memory_space<vmem>>
        %dma_start3A_144 = arith.constant 0 : i32
        %dma_start3A_145 = arith.constant 0 : i32
        %dma_start3A_146 = tpu.memref_slice %arg12[%dma_start3A_144, %dma_start3A_145] : memref<10016x128xf32, #tpu.memory_space<vmem_shared>> -> memref<10016x128xf32, #tpu.memory_space<vmem_shared>>
        tpu.enqueue_indirect_dma source(%arg10 : memref<128x128xf32, #tpu.memory_space<vmem>>) target(%dma_start3A_146 : memref<10016x128xf32, #tpu.memory_space<vmem_shared>>) offsets(%dma_start3A_143 : memref<128xi32, #tpu.memory_space<vmem>>) semaphore(%run_scoped3A : memref<!tpu.dma_semaphore, #tpu.memory_space<semaphore_mem>>) {add = true}
        %dma_wait3A_147 = arith.constant 0 : i32
        %dma_wait3A_148 = tpu.memref_slice %arg8[%scan3A_11, %dma_wait3A_147] : memref<82x128xi32, #tpu.memory_space<vmem>> -> memref<1x128xi32, #tpu.memory_space<vmem>>
        %dma_wait3A_149 = tpu.memref_squeeze %dma_wait3A_148 : memref<1x128xi32, #tpu.memory_space<vmem>> -> memref<128xi32, #tpu.memory_space<vmem>>
        %dma_wait3A_150 = arith.constant 0 : i32
        %dma_wait3A_151 = arith.constant 0 : i32
        %dma_wait3A_152 = tpu.memref_slice %arg12[%dma_wait3A_150, %dma_wait3A_151] : memref<10016x128xf32, #tpu.memory_space<vmem_shared>> -> memref<10016x128xf32, #tpu.memory_space<vmem_shared>>
        tpu.wait_indirect_dma semaphore(%run_scoped3A : memref<!tpu.dma_semaphore, #tpu.memory_space<semaphore_mem>>) src(%arg10 : memref<128x128xf32, #tpu.memory_space<vmem>>) dst(%dma_wait3A_152 : memref<10016x128xf32, #tpu.memory_space<vmem_shared>>)
        tpu.yield
      }) : () -> ()
    }
    %scan3A_9 = arith.constant 82 : i32
    %barrier3A_10 = arith.constant 0 : index
    tpu.barrier barrier_id(%barrier3A_10)
    "tpu.region"() ({
      %run_scoped3A = tpu.sem_alloc : memref<!tpu.dma_semaphore, #tpu.memory_space<semaphore_mem>>
      %dma_start3A = arith.constant 0 : i32
      %dma_start3A_11 = arith.constant 0 : i32
      %dma_start3A_12 = tpu.memref_slice %arg6[%arg0, %arg1, %dma_start3A, %dma_start3A_11] : memref<2x16x625x128xf32, #tpu.memory_space<hbm>> -> memref<1x1x625x128xf32, #tpu.memory_space<hbm>>
      %dma_start3A_13 = tpu.memref_squeeze %dma_start3A_12 : memref<1x1x625x128xf32, #tpu.memory_space<hbm>> -> memref<625x128xf32, #tpu.memory_space<hbm>>
      %dma_start3A_14 = arith.constant 0 : i32
      %dma_start3A_15 = tpu.memref_slice %arg12[%mul3A_0, %dma_start3A_14] : memref<10016x128xf32, #tpu.memory_space<vmem_shared>> -> memref<625x128xf32, #tpu.memory_space<vmem_shared>>
      tpu.enqueue_dma source(%dma_start3A_15 : memref<625x128xf32, #tpu.memory_space<vmem_shared>>) target(%dma_start3A_13 : memref<625x128xf32, #tpu.memory_space<hbm>>) target_semaphore(%run_scoped3A : memref<!tpu.dma_semaphore, #tpu.memory_space<semaphore_mem>>)
      %dma_wait3A = arith.constant 0 : i32
      %dma_wait3A_16 = arith.constant 0 : i32
      %dma_wait3A_17 = tpu.memref_slice %arg6[%arg0, %arg1, %dma_wait3A, %dma_wait3A_16] : memref<2x16x625x128xf32, #tpu.memory_space<hbm>> -> memref<1x1x625x128xf32, #tpu.memory_space<hbm>>
      %dma_wait3A_18 = tpu.memref_squeeze %dma_wait3A_17 : memref<1x1x625x128xf32, #tpu.memory_space<hbm>> -> memref<625x128xf32, #tpu.memory_space<hbm>>
      %dma_wait3A_19 = arith.constant 0 : i32
      %dma_wait3A_20 = tpu.memref_slice %arg12[%mul3A_0, %dma_wait3A_19] : memref<10016x128xf32, #tpu.memory_space<vmem_shared>> -> memref<625x128xf32, #tpu.memory_space<vmem_shared>>
      tpu.wait_dma2 semaphore(%run_scoped3A : memref<!tpu.dma_semaphore, #tpu.memory_space<semaphore_mem>>) src(%dma_wait3A_20 : memref<625x128xf32, #tpu.memory_space<vmem_shared>>) dst(%dma_wait3A_18 : memref<625x128xf32, #tpu.memory_space<hbm>>)
      tpu.yield
    }) : () -> ()
    return
  }
}

module attributes {stable_mosaic.version = 14 : i64} {
  func.func @_mlp_body(%arg0: i32, %arg1: memref<2x400x128xf32, #tpu.memory_space<vmem>>, %arg2: memref<256x512xf32, #tpu.memory_space<vmem>>, %arg3: memref<1x512xf32, #tpu.memory_space<vmem>>, %arg4: memref<512x256xf32, #tpu.memory_space<vmem>>, %arg5: memref<1x256xf32, #tpu.memory_space<vmem>>, %arg6: memref<400x256xf32, #tpu.memory_space<vmem>>, %arg7: memref<8x256xf32, #tpu.memory_space<vmem>>, %arg8: memref<8x256xf32, #tpu.memory_space<vmem>>) attributes {dimension_semantics = [#tpu.dimension_semantics<arbitrary>], iteration_bounds = array<i64: 25>, scalar_prefetch = 0 : i64, scratch_operands = 1 : i64, tpu.core_type = #tpu.core_type<tc>, window_params = [{transform_indices = @transform_0, window_bounds = array<i64: 2, 400, 128>}, {pipeline_mode = #tpu.pipeline_mode<synchronous>, transform_indices = @transform_1, window_bounds = array<i64: 256, 512>}, {pipeline_mode = #tpu.pipeline_mode<synchronous>, transform_indices = @transform_2, window_bounds = array<i64: 1, 512>}, {pipeline_mode = #tpu.pipeline_mode<synchronous>, transform_indices = @transform_3, window_bounds = array<i64: 512, 256>}, {pipeline_mode = #tpu.pipeline_mode<synchronous>, transform_indices = @transform_4, window_bounds = array<i64: 1, 256>}, {transform_indices = @transform_5, window_bounds = array<i64: 400, 256>}, {pipeline_mode = #tpu.pipeline_mode<synchronous>, transform_indices = @transform_6, window_bounds = array<i64: 8, 256>}]} {
    %get3A = arith.constant 0 : index
    %get3A_0 = arith.constant 0 : index
    %get3A_1 = arith.constant 0 : index
    %get3A_2 = vector.load %arg1[%get3A, %get3A_0, %get3A_1] : memref<2x400x128xf32, #tpu.memory_space<vmem>>, vector<1x400x128xf32>
    %get3A_3 = vector.shape_cast %get3A_2 : vector<1x400x128xf32> to vector<400x128xf32>
    %get3A_4 = arith.constant 1 : index
    %get3A_5 = arith.constant 0 : index
    %get3A_6 = arith.constant 0 : index
    %get3A_7 = vector.load %arg1[%get3A_4, %get3A_5, %get3A_6] : memref<2x400x128xf32, #tpu.memory_space<vmem>>, vector<1x400x128xf32>
    %get3A_8 = vector.shape_cast %get3A_7 : vector<1x400x128xf32> to vector<400x128xf32>
    %concatenate3A = tpu.concatenate %get3A_3, %get3A_8 in 1 : vector<400x128xf32>, vector<400x128xf32> -> vector<400x256xf32>
    %get3A_9 = arith.constant 0 : index
    %get3A_10 = arith.constant 0 : index
    %get3A_11 = vector.load %arg2[%get3A_9, %get3A_10] : memref<256x512xf32, #tpu.memory_space<vmem>>, vector<256x512xf32>
    %dot_general3A = arith.constant dense<0.000000e+00> : vector<400x512xf32>
    %dot_general3A_12 = tpu.matmul %concatenate3A, %get3A_11, %dot_general3A {dimension_numbers = #tpu.dot_dimension_numbers<[1], [0], [0], [1], [0, 0, 1, 1], [], []>, transpose_lhs_hint = false} : vector<400x256xf32>, vector<256x512xf32>, vector<400x512xf32> -> vector<400x512xf32>
    %get3A_13 = arith.constant 0 : index
    %get3A_14 = arith.constant 0 : index
    %get3A_15 = vector.load %arg3[%get3A_13, %get3A_14] : memref<1x512xf32, #tpu.memory_space<vmem>>, vector<1x512xf32>
    %add3A = vector.broadcast %get3A_15 : vector<1x512xf32> to vector<400x512xf32>
    %add3A_16 = arith.addf %dot_general3A_12, %add3A : vector<400x512xf32>
    %max3A = arith.constant 0.000000e+00 : f32
    %max3A_17 = vector.broadcast %max3A : f32 to vector<400x512xf32>
    %max3A_18 = arith.maximumf %add3A_16, %max3A_17 : vector<400x512xf32>
    %get3A_19 = arith.constant 0 : index
    %get3A_20 = arith.constant 0 : index
    %get3A_21 = vector.load %arg4[%get3A_19, %get3A_20] : memref<512x256xf32, #tpu.memory_space<vmem>>, vector<512x256xf32>
    %dot_general3A_22 = arith.constant dense<0.000000e+00> : vector<400x256xf32>
    %dot_general3A_23 = tpu.matmul %max3A_18, %get3A_21, %dot_general3A_22 {dimension_numbers = #tpu.dot_dimension_numbers<[1], [0], [0], [1], [0, 0, 1, 1], [], []>, transpose_lhs_hint = false} : vector<400x512xf32>, vector<512x256xf32>, vector<400x256xf32> -> vector<400x256xf32>
    %get3A_24 = arith.constant 0 : index
    %get3A_25 = arith.constant 0 : index
    %get3A_26 = vector.load %arg5[%get3A_24, %get3A_25] : memref<1x256xf32, #tpu.memory_space<vmem>>, vector<1x256xf32>
    %add3A_27 = vector.broadcast %get3A_26 : vector<1x256xf32> to vector<400x256xf32>
    %add3A_28 = arith.addf %dot_general3A_23, %add3A_27 : vector<400x256xf32>
    %swap3A = arith.constant 0 : index
    %swap3A_29 = arith.constant 0 : index
    %swap3A_30 = vector.load %arg6[%swap3A, %swap3A_29] : memref<400x256xf32, #tpu.memory_space<vmem>>, vector<400x256xf32>
    tpu.vector_store %arg6[%swap3A, %swap3A_29], %add3A_28 {strides = array<i32>} : memref<400x256xf32, #tpu.memory_space<vmem>>, vector<400x256xf32>,
    %eq3A = arith.constant 0 : i32
    %eq3A_31 = arith.cmpi eq, %arg0, %eq3A : i32
    %convert_element_type3A = arith.extui %eq3A_31 : i1 to i32
    %cond3A = arith.constant 0 : i32
    %cond3A_32 = arith.cmpi ne, %convert_element_type3A, %cond3A : i32
    scf.if %cond3A_32 {
      %broadcast_in_dim3A_56 = arith.constant 0.000000e+00 : f32
      %broadcast_in_dim3A_57 = vector.broadcast %broadcast_in_dim3A_56 : f32 to vector<8x256xf32>
      %swap3A_58 = arith.constant 0 : index
      %swap3A_59 = arith.constant 0 : index
      %swap3A_60 = vector.load %arg8[%swap3A_58, %swap3A_59] : memref<8x256xf32, #tpu.memory_space<vmem>>, vector<8x256xf32>
      tpu.vector_store %arg8[%swap3A_58, %swap3A_59], %broadcast_in_dim3A_57 {strides = array<i32>} : memref<8x256xf32, #tpu.memory_space<vmem>>, vector<8x256xf32>,
    } else {
    }
    %get3A_33 = arith.constant 0 : index
    %get3A_34 = arith.constant 0 : index
    %get3A_35 = vector.load %arg8[%get3A_33, %get3A_34] : memref<8x256xf32, #tpu.memory_space<vmem>>, vector<1x256xf32>
    %reduce_sum3A = arith.constant dense<0.000000e+00> : vector<256xf32>
    %reduce_sum3A_36 = vector.multi_reduction <add>, %add3A_28, %reduce_sum3A [0] : vector<400x256xf32> to vector<256xf32>
    %broadcast_in_dim3A = vector.shape_cast %reduce_sum3A_36 : vector<256xf32> to vector<1x256xf32>
    %add3A_37 = arith.addf %get3A_35, %broadcast_in_dim3A : vector<1x256xf32>
    %swap3A_38 = arith.constant 0 : index
    %swap3A_39 = arith.constant 0 : index
    %swap3A_40 = vector.load %arg8[%swap3A_38, %swap3A_39] : memref<8x256xf32, #tpu.memory_space<vmem>>, vector<1x256xf32>
    tpu.vector_store %arg8[%swap3A_38, %swap3A_39], %add3A_37 {strides = array<i32>} : memref<8x256xf32, #tpu.memory_space<vmem>>, vector<1x256xf32>,
    %get3A_41 = arith.constant 1 : index
    %get3A_42 = arith.constant 0 : index
    %get3A_43 = vector.load %arg8[%get3A_41, %get3A_42] : memref<8x256xf32, #tpu.memory_space<vmem>>, vector<1x256xf32>
    %mul3A = arith.mulf %add3A_28, %add3A_28 : vector<400x256xf32>
    %reduce_sum3A_44 = arith.constant dense<0.000000e+00> : vector<256xf32>
    %reduce_sum3A_45 = vector.multi_reduction <add>, %mul3A, %reduce_sum3A_44 [0] : vector<400x256xf32> to vector<256xf32>
    %broadcast_in_dim3A_46 = vector.shape_cast %reduce_sum3A_45 : vector<256xf32> to vector<1x256xf32>
    %add3A_47 = arith.addf %get3A_43, %broadcast_in_dim3A_46 : vector<1x256xf32>
    %swap3A_48 = arith.constant 1 : index
    %swap3A_49 = arith.constant 0 : index
    %swap3A_50 = vector.load %arg8[%swap3A_48, %swap3A_49] : memref<8x256xf32, #tpu.memory_space<vmem>>, vector<1x256xf32>
    tpu.vector_store %arg8[%swap3A_48, %swap3A_49], %add3A_47 {strides = array<i32>} : memref<8x256xf32, #tpu.memory_space<vmem>>, vector<1x256xf32>,
    %eq3A_51 = arith.constant 24 : i32
    %eq3A_52 = arith.cmpi eq, %arg0, %eq3A_51 : i32
    %convert_element_type3A_53 = arith.extui %eq3A_52 : i1 to i32
    %cond3A_54 = arith.constant 0 : i32
    %cond3A_55 = arith.cmpi ne, %convert_element_type3A_53, %cond3A_54 : i32
    scf.if %cond3A_55 {
      %get3A_56 = arith.constant 0 : index
      %get3A_57 = arith.constant 0 : index
      %get3A_58 = vector.load %arg8[%get3A_56, %get3A_57] : memref<8x256xf32, #tpu.memory_space<vmem>>, vector<8x256xf32>
      %swap3A_59 = arith.constant 0 : index
      %swap3A_60 = arith.constant 0 : index
      %swap3A_61 = vector.load %arg7[%swap3A_59, %swap3A_60] : memref<8x256xf32, #tpu.memory_space<vmem>>, vector<8x256xf32>
      tpu.vector_store %arg7[%swap3A_59, %swap3A_60], %get3A_58 {strides = array<i32>} : memref<8x256xf32, #tpu.memory_space<vmem>>, vector<8x256xf32>,
    } else {
    }
    return
  }
  func.func @transform_0(%arg0: i32) -> (i32, i32, i32) {
    %c0_i32 = arith.constant 0 : i32
    %c0_i32_0 = arith.constant 0 : i32
    %c0_i32_1 = arith.constant 0 : i32
    return %c0_i32, %arg0, %c0_i32_0 : i32, i32, i32
  }
  func.func @transform_1(%arg0: i32) -> (i32, i32) {
    %c0_i32 = arith.constant 0 : i32
    %c0_i32_0 = arith.constant 0 : i32
    %c0_i32_1 = arith.constant 0 : i32
    return %c0_i32, %c0_i32_0 : i32, i32
  }
  func.func @transform_2(%arg0: i32) -> (i32, i32) {
    %c0_i32 = arith.constant 0 : i32
    %c0_i32_0 = arith.constant 0 : i32
    %c0_i32_1 = arith.constant 0 : i32
    return %c0_i32, %c0_i32_0 : i32, i32
  }
  func.func @transform_3(%arg0: i32) -> (i32, i32) {
    %c0_i32 = arith.constant 0 : i32
    %c0_i32_0 = arith.constant 0 : i32
    %c0_i32_1 = arith.constant 0 : i32
    return %c0_i32, %c0_i32_0 : i32, i32
  }
  func.func @transform_4(%arg0: i32) -> (i32, i32) {
    %c0_i32 = arith.constant 0 : i32
    %c0_i32_0 = arith.constant 0 : i32
    %c0_i32_1 = arith.constant 0 : i32
    return %c0_i32, %c0_i32_0 : i32, i32
  }
  func.func @transform_5(%arg0: i32) -> (i32, i32) {
    %c0_i32 = arith.constant 0 : i32
    %c0_i32_0 = arith.constant 0 : i32
    return %arg0, %c0_i32 : i32, i32
  }
  func.func @transform_6(%arg0: i32) -> (i32, i32) {
    %c0_i32 = arith.constant 0 : i32
    %c0_i32_0 = arith.constant 0 : i32
    %c0_i32_1 = arith.constant 0 : i32
    return %c0_i32, %c0_i32_0 : i32, i32
  }
}

module attributes {stable_mosaic.version = 14 : i64} {
  func.func @_bn_body(%arg0: i32, %arg1: memref<400x256xf32, #tpu.memory_space<vmem>>, %arg2: memref<8x256xf32, #tpu.memory_space<vmem>>, %arg3: memref<1x256xf32, #tpu.memory_space<vmem>>, %arg4: memref<1x256xf32, #tpu.memory_space<vmem>>, %arg5: memref<400x256xf32, #tpu.memory_space<vmem>>) attributes {dimension_semantics = [#tpu.dimension_semantics<arbitrary>], iteration_bounds = array<i64: 25>, scalar_prefetch = 0 : i64, scratch_operands = 0 : i64, tpu.core_type = #tpu.core_type<tc>, window_params = [{transform_indices = @transform_0, window_bounds = array<i64: 400, 256>}, {pipeline_mode = #tpu.pipeline_mode<synchronous>, transform_indices = @transform_1, window_bounds = array<i64: 8, 256>}, {pipeline_mode = #tpu.pipeline_mode<synchronous>, transform_indices = @transform_2, window_bounds = array<i64: 1, 256>}, {pipeline_mode = #tpu.pipeline_mode<synchronous>, transform_indices = @transform_3, window_bounds = array<i64: 1, 256>}, {transform_indices = @transform_4, window_bounds = array<i64: 400, 256>}]} {
    %get3A = arith.constant 0 : index
    %get3A_0 = arith.constant 0 : index
    %get3A_1 = vector.load %arg2[%get3A, %get3A_0] : memref<8x256xf32, #tpu.memory_space<vmem>>, vector<1x256xf32>
    %mul3A = arith.constant 9.99999974E-5 : f32
    %mul3A_2 = vector.broadcast %mul3A : f32 to vector<1x256xf32>
    %mul3A_3 = arith.mulf %get3A_1, %mul3A_2 : vector<1x256xf32>
    %get3A_4 = arith.constant 1 : index
    %get3A_5 = arith.constant 0 : index
    %get3A_6 = vector.load %arg2[%get3A_4, %get3A_5] : memref<8x256xf32, #tpu.memory_space<vmem>>, vector<1x256xf32>
    %mul3A_7 = arith.constant 9.99999974E-5 : f32
    %mul3A_8 = vector.broadcast %mul3A_7 : f32 to vector<1x256xf32>
    %mul3A_9 = arith.mulf %get3A_6, %mul3A_8 : vector<1x256xf32>
    %mul3A_10 = arith.mulf %mul3A_3, %mul3A_3 : vector<1x256xf32>
    %sub3A = arith.subf %mul3A_9, %mul3A_10 : vector<1x256xf32>
    %add3A = arith.constant 9.99999974E-6 : f32
    %add3A_11 = vector.broadcast %add3A : f32 to vector<1x256xf32>
    %add3A_12 = arith.addf %sub3A, %add3A_11 : vector<1x256xf32>
    %rsqrt3A = math.rsqrt %add3A_12 : vector<1x256xf32>
    %get3A_13 = arith.constant 0 : index
    %get3A_14 = arith.constant 0 : index
    %get3A_15 = vector.load %arg3[%get3A_13, %get3A_14] : memref<1x256xf32, #tpu.memory_space<vmem>>, vector<1x256xf32>
    %mul3A_16 = arith.mulf %rsqrt3A, %get3A_15 : vector<1x256xf32>
    %get3A_17 = arith.constant 0 : index
    %get3A_18 = arith.constant 0 : index
    %get3A_19 = vector.load %arg1[%get3A_17, %get3A_18] : memref<400x256xf32, #tpu.memory_space<vmem>>, vector<400x256xf32>
    %sub3A_20 = vector.broadcast %mul3A_3 : vector<1x256xf32> to vector<400x256xf32>
    %sub3A_21 = arith.subf %get3A_19, %sub3A_20 : vector<400x256xf32>
    %mul3A_22 = vector.broadcast %mul3A_16 : vector<1x256xf32> to vector<400x256xf32>
    %mul3A_23 = arith.mulf %sub3A_21, %mul3A_22 : vector<400x256xf32>
    %get3A_24 = arith.constant 0 : index
    %get3A_25 = arith.constant 0 : index
    %get3A_26 = vector.load %arg4[%get3A_24, %get3A_25] : memref<1x256xf32, #tpu.memory_space<vmem>>, vector<1x256xf32>
    %add3A_27 = vector.broadcast %get3A_26 : vector<1x256xf32> to vector<400x256xf32>
    %add3A_28 = arith.addf %mul3A_23, %add3A_27 : vector<400x256xf32>
    %max3A = arith.constant 0.000000e+00 : f32
    %max3A_29 = vector.broadcast %max3A : f32 to vector<400x256xf32>
    %max3A_30 = arith.maximumf %add3A_28, %max3A_29 : vector<400x256xf32>
    %swap3A = arith.constant 0 : index
    %swap3A_31 = arith.constant 0 : index
    %swap3A_32 = vector.load %arg5[%swap3A, %swap3A_31] : memref<400x256xf32, #tpu.memory_space<vmem>>, vector<400x256xf32>
    tpu.vector_store %arg5[%swap3A, %swap3A_31], %max3A_30 {strides = array<i32>} : memref<400x256xf32, #tpu.memory_space<vmem>>, vector<400x256xf32>,
    return
  }
  func.func @transform_0(%arg0: i32) -> (i32, i32) {
    %c0_i32 = arith.constant 0 : i32
    %c0_i32_0 = arith.constant 0 : i32
    return %arg0, %c0_i32 : i32, i32
  }
  func.func @transform_1(%arg0: i32) -> (i32, i32) {
    %c0_i32 = arith.constant 0 : i32
    %c0_i32_0 = arith.constant 0 : i32
    %c0_i32_1 = arith.constant 0 : i32
    return %c0_i32, %c0_i32_0 : i32, i32
  }
  func.func @transform_2(%arg0: i32) -> (i32, i32) {
    %c0_i32 = arith.constant 0 : i32
    %c0_i32_0 = arith.constant 0 : i32
    %c0_i32_1 = arith.constant 0 : i32
    return %c0_i32, %c0_i32_0 : i32, i32
  }
  func.func @transform_3(%arg0: i32) -> (i32, i32) {
    %c0_i32 = arith.constant 0 : i32
    %c0_i32_0 = arith.constant 0 : i32
    %c0_i32_1 = arith.constant 0 : i32
    return %c0_i32, %c0_i32_0 : i32, i32
  }
  func.func @transform_4(%arg0: i32) -> (i32, i32) {
    %c0_i32 = arith.constant 0 : i32
    %c0_i32_0 = arith.constant 0 : i32
    return %arg0, %c0_i32 : i32, i32
  }
}

module attributes {stable_mosaic.version = 14 : i64} {
  func.func @_bn_body(%arg0: i32, %arg1: memref<400x256xf32, #tpu.memory_space<vmem>>, %arg2: memref<8x256xf32, #tpu.memory_space<vmem>>, %arg3: memref<1x256xf32, #tpu.memory_space<vmem>>, %arg4: memref<1x256xf32, #tpu.memory_space<vmem>>, %arg5: memref<400x256xf32, #tpu.memory_space<vmem>>) attributes {dimension_semantics = [#tpu.dimension_semantics<arbitrary>], iteration_bounds = array<i64: 25>, scalar_prefetch = 0 : i64, scratch_operands = 0 : i64, tpu.core_type = #tpu.core_type<tc>, window_params = [{transform_indices = @transform_0, window_bounds = array<i64: 400, 256>}, {pipeline_mode = #tpu.pipeline_mode<synchronous>, transform_indices = @transform_1, window_bounds = array<i64: 8, 256>}, {pipeline_mode = #tpu.pipeline_mode<synchronous>, transform_indices = @transform_2, window_bounds = array<i64: 1, 256>}, {pipeline_mode = #tpu.pipeline_mode<synchronous>, transform_indices = @transform_3, window_bounds = array<i64: 1, 256>}, {transform_indices = @transform_4, window_bounds = array<i64: 400, 256>}]} {
    %get3A = arith.constant 0 : index
    %get3A_0 = arith.constant 0 : index
    %get3A_1 = vector.load %arg2[%get3A, %get3A_0] : memref<8x256xf32, #tpu.memory_space<vmem>>, vector<1x256xf32>
    %mul3A = arith.constant 9.99999974E-5 : f32
    %mul3A_2 = vector.broadcast %mul3A : f32 to vector<1x256xf32>
    %mul3A_3 = arith.mulf %get3A_1, %mul3A_2 : vector<1x256xf32>
    %get3A_4 = arith.constant 1 : index
    %get3A_5 = arith.constant 0 : index
    %get3A_6 = vector.load %arg2[%get3A_4, %get3A_5] : memref<8x256xf32, #tpu.memory_space<vmem>>, vector<1x256xf32>
    %mul3A_7 = arith.constant 9.99999974E-5 : f32
    %mul3A_8 = vector.broadcast %mul3A_7 : f32 to vector<1x256xf32>
    %mul3A_9 = arith.mulf %get3A_6, %mul3A_8 : vector<1x256xf32>
    %mul3A_10 = arith.mulf %mul3A_3, %mul3A_3 : vector<1x256xf32>
    %sub3A = arith.subf %mul3A_9, %mul3A_10 : vector<1x256xf32>
    %add3A = arith.constant 9.99999974E-6 : f32
    %add3A_11 = vector.broadcast %add3A : f32 to vector<1x256xf32>
    %add3A_12 = arith.addf %sub3A, %add3A_11 : vector<1x256xf32>
    %rsqrt3A = math.rsqrt %add3A_12 : vector<1x256xf32>
    %get3A_13 = arith.constant 0 : index
    %get3A_14 = arith.constant 0 : index
    %get3A_15 = vector.load %arg3[%get3A_13, %get3A_14] : memref<1x256xf32, #tpu.memory_space<vmem>>, vector<1x256xf32>
    %mul3A_16 = arith.mulf %rsqrt3A, %get3A_15 : vector<1x256xf32>
    %get3A_17 = arith.constant 0 : index
    %get3A_18 = arith.constant 0 : index
    %get3A_19 = vector.load %arg1[%get3A_17, %get3A_18] : memref<400x256xf32, #tpu.memory_space<vmem>>, vector<400x256xf32>
    %sub3A_20 = vector.broadcast %mul3A_3 : vector<1x256xf32> to vector<400x256xf32>
    %sub3A_21 = arith.subf %get3A_19, %sub3A_20 : vector<400x256xf32>
    %mul3A_22 = vector.broadcast %mul3A_16 : vector<1x256xf32> to vector<400x256xf32>
    %mul3A_23 = arith.mulf %sub3A_21, %mul3A_22 : vector<400x256xf32>
    %get3A_24 = arith.constant 0 : index
    %get3A_25 = arith.constant 0 : index
    %get3A_26 = vector.load %arg4[%get3A_24, %get3A_25] : memref<1x256xf32, #tpu.memory_space<vmem>>, vector<1x256xf32>
    %add3A_27 = vector.broadcast %get3A_26 : vector<1x256xf32> to vector<400x256xf32>
    %add3A_28 = arith.addf %mul3A_23, %add3A_27 : vector<400x256xf32>
    %swap3A = arith.constant 0 : index
    %swap3A_29 = arith.constant 0 : index
    %swap3A_30 = vector.load %arg5[%swap3A, %swap3A_29] : memref<400x256xf32, #tpu.memory_space<vmem>>, vector<400x256xf32>
    tpu.vector_store %arg5[%swap3A, %swap3A_29], %add3A_28 {strides = array<i32>} : memref<400x256xf32, #tpu.memory_space<vmem>>, vector<400x256xf32>,
    return
  }
  func.func @transform_0(%arg0: i32) -> (i32, i32) {
    %c0_i32 = arith.constant 0 : i32
    %c0_i32_0 = arith.constant 0 : i32
    return %arg0, %c0_i32 : i32, i32
  }
  func.func @transform_1(%arg0: i32) -> (i32, i32) {
    %c0_i32 = arith.constant 0 : i32
    %c0_i32_0 = arith.constant 0 : i32
    %c0_i32_1 = arith.constant 0 : i32
    return %c0_i32, %c0_i32_0 : i32, i32
  }
  func.func @transform_2(%arg0: i32) -> (i32, i32) {
    %c0_i32 = arith.constant 0 : i32
    %c0_i32_0 = arith.constant 0 : i32
    %c0_i32_1 = arith.constant 0 : i32
    return %c0_i32, %c0_i32_0 : i32, i32
  }
  func.func @transform_3(%arg0: i32) -> (i32, i32) {
    %c0_i32 = arith.constant 0 : i32
    %c0_i32_0 = arith.constant 0 : i32
    %c0_i32_1 = arith.constant 0 : i32
    return %c0_i32, %c0_i32_0 : i32, i32
  }
  func.func @transform_4(%arg0: i32) -> (i32, i32) {
    %c0_i32 = arith.constant 0 : i32
    %c0_i32_0 = arith.constant 0 : i32
    return %arg0, %c0_i32 : i32, i32
  }
}

</mosaic_0001>

<sc_bundles>
// kernel: kernel.11.cloned.1.call-start
scs
__scs_entry_jumppad:
0x0: {  	(pc) =	sbr.rel $0x88, $3  }
0x1: {  	(tag) =	ssettag $0x0;
	lr =	simm.s32 $0x1  }
0x2: {  	[smem:$0x3F99] =	sst lr;
	_ =	strace $0xD0000000  }
0x3: {  	_ = 	snop  }
0x4: {  	_ = 	snop  }
0x5: {  	_ = 	snop  }
0x6: {  	_ = 	snop  }
0x7: {  	_ = 	snop  }
__scs_overlays_trampoline_lowered:
0x8: {  	[smem:$0x3FA8] =	sst s0  }
0x9: {  	[smem:$0x3FA9] =	sst s1  }
0xa: {  	[smem:$0x3FAA] =	sst s2  }
0xb: {  	[smem:$0x3FAB] =	sst s3  }
0xc: {  	[smem:$0x3FAC] =	sst s4  }
0xd: {  	[smem:$0x3FAD] =	sst s5  }
0xe: {  	[smem:$0x3FAE] =	sst s6  }
0xf: {  	[smem:$0x3FAF] =	sst s7  }
0x10: {  	[smem:$0x3FB0] =	sst s8  }
0x11: {  	[smem:$0x3FB1] =	sst s9;
	s0 =	simm.s32 @!p0 $0x0  }
0x12: {  	s1 =	sld [smem:$0x3F97];
	s0 =	simm.s32 @p0 $0x1  }
0x13: {  	[smem:$0x3FB2] =	sst s0;
	s0 =	simm.s32 @!p1 $0x0  }
0x14: {  	s2 =	sld [smem:$0x3F96];
	s0 =	simm.s32 @p1 $0x1  }
0x15: {  	[smem:$0x3FB3] =	sst s0;
	s0 =	simm.s32 @!p2 $0x0  }
0x16: {  	s3 =	sld [smem:$0x3FDB];
	s0 =	simm.s32 @p2 $0x1  }
0x17: {  	s4 =	simm.s32 $0x1BF5;
	[smem:$0x3FB5] =	sst s0  }
0x18: {  	s0 =	sld [smem:$0x3F98];
	_ =	swait.ge [sflag:s4], $0x0  }
0x19: {  	s7 =	sld [smem:$0x3F99]  }
0x1a: {  	s8 =	sadd.s32 $0xFFFFE003, lr  }
0x1b: {  	s9 =	sadd.s32 $0xFFFFFEF7, lr;
	s5 =	simm.s32 $0xFFFFFFFF;
	p2 =	slt.u32 s8, $0xFFFFF086  }
0x1c: {  	p1 =	slt.u32 s9, $0xF7A;
	s5 =	simm.s32 @!p2 $0x0  }
0x1d: {  	s5 =	simm.s32 @p1 $0x1;
	p0 =	seq.s32 s7, s2  }
0x1e: {  	s7 =	smul.u32 @!p0 $0xF7A, s2;
	p2 =	seq.s32 @!p0 s5, $0x0  }
0x1f: {  	s9 =	smul.u32 $0xF7A, s1;
	s8 =	simm.s32 @!p0 $0x1BF5;
	p2 =	por !p2, p0  }
0x20: {  	[sflag:s8] =	ssyncset.s32 @!p0 $0xFFFFF086;
	s6 =	sadd.s32 @!p0 s3, s7;
	s7 =	simm.s32 @!p0 $0x108  }
0x21: {  	s3 =	sadd.s32 s3, s9;
	s6 =	sadd.s32 @!p0 $0x88, s6;
	s7 =	simm.s32 @p2 $0x1082  }
0x22: {  	[simem:s7], [sflag:s8] =	dma.local @!p0 [hbm:s6], $0xF7A  }
0x23: {  	s9 =	sor.u32 $0xD0000000, s2;
	s6 =	simm.s32 $0x108;
	_ =	swait.ge @!p0 [sflag:s8], $0x0  }
0x24: {  	s3 =	sadd.s32 $0x88, s3;
	s6 =	simm.s32 @!p1 $0x1082;
	[sflag:s4] =	ssyncset.s32 $0xFFFFF086  }
0x25: {  	[simem:s6], [sflag:s4] =	dma.local [hbm:s3], $0xF7A  }
0x26: {  	[smem:$0x3F99] =	sst s1;
	(tag) =	ssettag s2;
	_ =	strace s9  }
0x27: {  	s1 =	sld [smem:$0x3FA9]  }
0x28: {  	s2 =	sld [smem:$0x3FAA]  }
0x29: {  	s4 =	sld [smem:$0x3FAC]  }
0x2a: {  	p0 =	seq.s32 s5, $0x0;
	s5 =	sld [smem:$0x3FAD]  }
0x2b: {  	s6 =	sld [smem:$0x3FAE]  }
0x2c: {  	s7 =	sld [smem:$0x3FAF]  }
0x2d: {  	s3 =	simm.s32 $0x108;
	s8 =	sld [smem:$0x3FB0]  }
0x2e: {  	s3 =	simm.s32 @!p0 $0x1082;
	s9 =	sld [smem:$0x3FB1]  }
0x2f: {  	lr =	sadd.s32 s0, s3;
	s0 =	sld [smem:$0x3FA8]  }
0x30: {  	s3 =	sld [smem:$0x3FAB]  }
0x31: {  	[smem:$0x3FB4] =	sst s10  }
0x32: {  	s10 =	sld [smem:$0x3FB2];
	_ =	sdelay $0x3  }
0x33: {  	p0 =	seq.s32 s10, $0x1;
	s10 =	sld [smem:$0x3FB4];
	_ =	sdelay $0x3  }
0x34: {  	[smem:$0x3FB4] =	sst s10  }
0x35: {  	s10 =	sld [smem:$0x3FB3];
	_ =	sdelay $0x3  }
0x36: {  	p1 =	seq.s32 s10, $0x1;
	s10 =	sld [smem:$0x3FB4];
	_ =	sdelay $0x3  }
0x37: {  	[smem:$0x3FB4] =	sst s10  }
0x38: {  	s10 =	sld [smem:$0x3FB5]  }
0x39: {  	_ = 	snop;
	(pc) =	sbr.ind lr, $3  }
0x3a: {  	_ = 	snop  }
0x3b: {  	_ = 	snop  }
0x3c: {  	p2 =	seq.s32 s10, $0x1;
	s10 =	sld [smem:$0x3FB4]  }
0x3d: {  	_ =	shalt  }
0x3e: {  	_ =	shalt  }
0x3f: {  	_ =	shalt  }
0x40: {  	_ =	shalt  }
0x41: {  	_ =	shalt  }
0x42: {  	_ =	shalt  }
0x43: {  	_ =	shalt  }
0x44: {  	_ =	shalt  }
0x45: {  	_ =	shalt  }
0x46: {  	_ =	shalt  }
0x47: {  	_ =	shalt  }
0x48: {  	_ =	shalt  }
0x49: {  	_ =	shalt  }
0x4a: {  	_ =	shalt  }
0x4b: {  	_ =	shalt  }
0x4c: {  	_ =	shalt  }
0x4d: {  	_ =	shalt  }
0x4e: {  	_ =	shalt  }
0x4f: {  	_ =	shalt  }
0x50: {  	_ =	shalt  }
0x51: {  	_ =	shalt  }
0x52: {  	_ =	shalt  }
0x53: {  	_ =	shalt  }
0x54: {  	_ =	shalt  }
0x55: {  	_ =	shalt  }
0x56: {  	_ =	shalt  }
0x57: {  	_ =	shalt  }
0x58: {  	_ =	shalt  }
0x59: {  	_ =	shalt  }
0x5a: {  	_ =	shalt  }
0x5b: {  	_ =	shalt  }
0x5c: {  	_ =	shalt  }
0x5d: {  	_ =	shalt  }
0x5e: {  	_ =	shalt  }
0x5f: {  	_ =	shalt  }
0x60: {  	_ =	shalt  }
0x61: {  	_ =	shalt  }
0x62: {  	_ =	shalt  }
0x63: {  	_ =	shalt  }
0x64: {  	_ =	shalt  }
0x65: {  	_ =	shalt  }
0x66: {  	_ =	shalt  }
0x67: {  	_ =	shalt  }
0x68: {  	_ =	shalt  }
0x69: {  	_ =	shalt  }
0x6a: {  	_ =	shalt  }
0x6b: {  	_ =	shalt  }
0x6c: {  	_ =	shalt  }
0x6d: {  	_ =	shalt  }
0x6e: {  	_ =	shalt  }
0x6f: {  	_ =	shalt  }
0x70: {  	_ =	shalt  }
0x71: {  	_ =	shalt  }
0x72: {  	_ =	shalt  }
0x73: {  	_ =	shalt  }
0x74: {  	_ =	shalt  }
0x75: {  	_ =	shalt  }
0x76: {  	_ =	shalt  }
0x77: {  	_ =	shalt  }
0x78: {  	_ =	shalt  }
0x79: {  	_ =	shalt  }
0x7a: {  	_ =	shalt  }
0x7b: {  	_ =	shalt  }
0x7c: {  	_ =	shalt  }
0x7d: {  	_ =	shalt  }
0x7e: {  	_ =	shalt  }
0x7f: {  	_ =	shalt  }
0x80: {  	_ =	shalt  }
0x81: {  	_ =	shalt  }
0x82: {  	_ =	shalt  }
0x83: {  	_ =	shalt  }
0x84: {  	_ =	shalt  }
0x85: {  	_ =	shalt  }
0x86: {  	_ =	shalt  }
0x87: {  	_ =	shalt  }
.Lfunc_end0:
.L_simem_size_0:
called_computation_lowered:
.L_overlay_start_0:
0x88: {  	s2 =	sld [smem:$0x3FD9]  }
0x89: {  	s3 =	sld [smem:$0x3FFE];
	_ =	sdelay $0x1  }
0x8a: {  	s1 =	srdreg.scid  }
0x8b: {  	s0 =	sand.u32 $0x1, s1  }
0x8c: {  	s17 =	sshll.u32 s0, $0xA;
	s2 =	sadd.s32 s3, s2  }
0x8d: {  	s2 =	sadd.s32 s2, s17  }
0x8e: {  	[smem:$0x3FC0] =	sst s2  }
0x8f: {  	_ = 	snop  }
0x90: {  	s2 =	sld [smem:$0x3FD0];
	(tm) =	ssettm $0x1  }
0x91: {  	s18 =	sld [smem:$0x3FFB];
	_ =	sdelay $0x3  }
0x92: {  	_ =	strace s18  }
0x93: {  	s3 =	sld [smem:$0x3FFC];
	_ =	sdelay $0x3  }
0x94: {  	_ =	strace s3  }
0x95: {  	s3 =	sld [smem:$0x3FFD];
	_ =	sdelay $0x3  }
0x96: {  	_ =	strace s3  }
0x97: {  	_ =	strace $0x8FFFFFFF  }
0x98: {  	s19 =	sld [smem:$0x3FDB];
	_ =	sdelay $0x1  }
0x99: {  	s4 =	simm.s32 $_scs_section_size  }
0x9a: {  	s5 =	simm.s32 $_size__tile_overlayer_lowered;
	s6 =	simm.s32 $_tile_overlayer_lowered  }
0x9b: {  	s22 =	simm.s32 $0x1BFF;
	s21 =	sshll.u32 s6, $0x1;
	s3 =	sadd.s32 s4, s19  }
0x9c: {  	s7 =	simm.s32 $0x0;
	s20 =	sshll.u32 s5, $0x1;
	s5 =	sadd.s32 s21, s3  }
0x9d: {  	[timem:s7], [sflag:s22] =	dma.local [hbm:s5], s20  }
0x9e: {  	_ =	swait.ge [sflag:s22], s20  }
0x9f: {  	s4 =	ssub.s32 $0x0, s20;
	[sflag:s22] =	ssyncset.done $0x0  }
0xa0: {  	[sflag:s22] =	ssyncadd.s32 s4;
	_ =	sdelay $0x1  }
0xa1: {  	s23 =	simm.s32 $0x1B8B  }
0xa2: {  	_ =	swait.ge [sflag:s23], $0x1  }
0xa3: {  	[sflag:s23] =	ssyncset.done $0x0  }
0xa4: {  	s25 =	simm.s32 $0x1B8E;
	s24 =	sld [smem:$0x3FFE];
	[sflag:s23] =	ssyncadd.s32 $0xFFFFFFFF  }
0xa5: {  	s26 =	simm.s32 $execute0_lowered;
	[smem:$0x3FD2] =	sst s25  }
0xa6: {  	s5 =	sshll.u32 s26, $0x1;
	_ =	strace $0x80000046;
	[dreg:$0x1] =	wrdreg $0xFFFFFFFF  }
0xa7: {  	s28 =	simm.s32 $_size_execute0_lowered;
	s3 =	sadd.s32 s3, s5;
	[dreg:$0x0] =	wrdreg $0x0  }
0xa8: {  	s5 =	sshll.u32 s28, $0x1;
	[dreg:$0x2] =	wrdreg s3  }
0xa9: {  	[dreg:$0x3] =	wrdreg s5  }
0xaa: {  	[dreg:$0x4] =	wrdreg $0xC0  }
0xab: {  	_ =	task [dreg:s7], $0x5FFFF  }
0xac: {  	[dreg:$0x1] =	wrdreg $0xFFFFFFFF  }
0xad: {  	[dreg:$0x0] =	wrdreg $0x60  }
0xae: {  	[dreg:$0x2] =	wrdreg s24  }
0xaf: {  	[dreg:$0x3] =	wrdreg s2  }
0xb0: {  	[dreg:$0x4] =	wrdreg $0x95800  }
0xb1: {  	[dreg:$0x5] =	wrdreg $0x9  }
0xb2: {  	_ =	task.clear_ibuf [dreg:s7], $0x6FFFF;
	_ =	strace $0x90000046  }
0xb3: {  	s29 =	simm.s32 $0x9;
	_ =	strace $0x80000048  }
0xb4: {  	_ =	swait.ge [sflag:s29], $0x1  }
0xb5: {  	[sflag:s29] =	ssyncadd.s32 $0xFFFFFFFF  }
0xb6: {  	_ =	strace $0x90000048  }
0xb7: {  	_ =	sfence  }
0xb8: {  	s30 =	sld [smem:$0x0];
	_ =	sdelay $0x2  }
0xb9: {  	s31 =	sshll.u32 s1, $0xD;
	s1 =	sshrl.u32 s1, $0x2  }
0xba: {  	s3 =	sand.u32 $0x4000, s31;
	s1 =	sadd.s32 s1, s30  }
0xbb: {  	s0 =	sor.u32 s3, s0;
	s1 =	sshll.u32 s1, $0x11  }
0xbc: {  	s0 =	sor.u32 s1, s0  }
0xbd: {  	s0 =	sadd.s32 $0x8F2B, s0  }
0xbe: {  	[sflag:s0] =	ssyncadd.remote.s32 $0x1  }
0xbf: {  	_ =	sfence.sel $0xFFFF  }
0xc0: {  	[dreg:$0x0] =	wrdreg $0xFFFFFFFF;
	(pc) =	sbr.abs _section_cstart, $3  }
0xc1: {  	[dreg:$0x1] =	wrdreg $0xFFFFFFFF  }
0xc2: {  	_ =	task.clear_ibuf [dreg:s7], $0x2FFFF;
	_ =	strace $0x9FFFFFFF  }
0xc3: {  	(tm) =	ssettm $0x7FFFFFFF  }
tec
execute0_lowered:
.L_overlay_start_1:
0x0: {  	(tag) =	ssettag $0x1  }
0x1: {  	s5 =	rddreg [dreg:$0x0]  }
0x2: {  	s2 =	rddreg [dreg:$0x1]  }
0x3: {  	s3 =	rddreg [dreg:$0x2]  }
0x4: {  	s4 =	srdreg.scid;
	s1 =	stileid.u32  }
0x5: {  	s0 =	rddreg [dreg:$0x3];
	s14 =	simm.s32 $0x100;
	s6 =	smul.u32 $0x27800, s1  }
0x6: {  	s17 =	simm.s32 $0x2;
	s18 =	simm.s32 $0x2900;
	s8 =	smul.u32 $0x520, s1  }
0x7: {  	s19 =	simm.s32 $0x5500;
	s21 =	simm.s32 $0x1;
	s9 =	smul.u32 $0x13C00, s1  }
0x8: {  	s22 =	simm.s32 $0x0;
	s20 =	sand.u32 $0x1, s4;
	s10 =	smul.u32 $0x580, s1  }
0x9: {  	s4 =	simm.s32 $0x0;
	s11 =	smul.u32 $0x4E200, s1;
	s31 =	sshll.u32 s1, $0x6  }
0xa: {  	s7 =	sshll.u32 s20, $0xA;
	[smem:$0x7FF] =	sst s4;
	s28 =	smul.u32 $0x13C000, s20  }
0xb: {  	s29 =	ssub.s32 $0x2, s20;
	v0 =	vmov s20;
	s20 =	simm.s32 $0x5580;
	s6 =	sor.u32 s7, s6  }
0xc: {  	_ =	strace $0x80000047;
	s8 =	sadd.s32 s8, s5;
	s10 =	sadd.s32 s10, s5  }
0xd: {  	s12 =	sshrl.u32 s29, $0x1;
	s30 =	sshrl.u32 s11, $0x2;
	s6 =	sshrl.u32 s6, $0x3  }
0xe: {  	s7 =	sadd.s32 s9, s28;
	s12 =	ssub.s32 s29, s12;
	s11 =	sadd.s32 s30, s3  }
0xf: {  	s6 =	sadd.s32 s6, s5;
	s7 =	sshrl.u32 s7, $0x3;
	s16 =	sadd.s32 $0x13800, s11  }
0x10: {  	s11 =	sshrl.u32 s11, $0x3;
	s13 =	sadd.s32 s7, s5;
	s5 =	sadd.s32 $0x2400, s6  }
0x11: {  	s6 =	sor.u32 $0x1C02, s31;
	s7 =	sadd.s32 $0x56C00, s8;
	s8 =	sadd.s32 $0x51400, s10  }
0x12: {  	s10 =	smax.u32 s12, $0x1;
	s12 =	simm.s32 $0x8;
	s16 =	sshrl.u32 s16, $0x3  }
0x13: {  	s9 =	sadd.s32 $0x5BE00, s13;
	s13 =	simm.s32 $0x80;
	s15 =	sadd.s32 $0x4E00, s5  }
.LBB2_1:
0x14: {  	[spmem:s11@s13], [sflag:s6] =	dma.strided [hbm:s5@s14], $0x2700, s12, $0x10   }
0x15: {  	[spmem:s16], [sflag:s6] =	dma.local [hbm:s15], $0x10  }
0x16: {  	_ =	swait.ge [sflag:s17], $0x2710  }
0x17: {  	[sflag:s17] =	ssyncset.done $0x0  }
0x18: {  	[sflag:s17] =	ssyncadd.s32 $0xFFFFD8F0  }
0x19: {  	[tilespmem:s4], [sflag:$0x2] =	stream.linear.gather [hbm4b:s7+s4], $0x2900, $0x38;
	[tilespmem:$0x1CE80] =	vst v63  }
0x1a: {  	_ =	swait.ge [sflag:s17], $0x2900  }
0x1b: {  	[sflag:s17] =	ssyncset.done $0x0  }
0x1c: {  	[sflag:s17] =	ssyncadd.s32 $0xFFFFD700  }
0x1d: {  	[tilespmem:s18], [sflag:$0x2] =	stream.linear.gather [hbm4b:s8+s4], $0x2900, $0x38;
	[tilespmem:$0x1CE80] =	vst v63  }
0x1e: {  	_ =	swait.ge [sflag:s17], $0x2900  }
0x1f: {  	[sflag:s17] =	ssyncset.done $0x0  }
0x20: {  	[sflag:s17] =	ssyncadd.s32 $0xFFFFD700  }
0x21: {  	s23 =	simm.s32 $0x0;
	[bflag:$0x0] =	sbarrier.arrive $0xFFFF  }
0x22: {  	v1 =	vld [tilespmem:s23+$0x0];
	_ =	sdelay $0x4  }
0x23: {  	v1 =	vshll.u32 v1, $0x1  }
0x24: {  	v1 =	vor.u32 v0, v1  }
0x25: {  	[tilespmem:$0x5500] =	vst v1  }
0x26: {  	v1 =	vld [tilespmem:s23+$0x10];
	_ =	sdelay $0x4  }
0x27: {  	v1 =	vshll.u32 v1, $0x1  }
0x28: {  	v1 =	vor.u32 v0, v1  }
0x29: {  	[tilespmem:$0x5510] =	vst v1  }
0x2a: {  	v1 =	vld [tilespmem:s23+$0x20];
	_ =	sdelay $0x4  }
0x2b: {  	v1 =	vshll.u32 v1, $0x1  }
0x2c: {  	v1 =	vor.u32 v0, v1  }
0x2d: {  	[tilespmem:$0x5520] =	vst v1  }
0x2e: {  	v1 =	vld [tilespmem:s23+$0x30];
	_ =	sdelay $0x4  }
0x2f: {  	v1 =	vshll.u32 v1, $0x1  }
0x30: {  	v1 =	vor.u32 v0, v1  }
0x31: {  	[tilespmem:$0x5530] =	vst v1  }
0x32: {  	v1 =	vld [tilespmem:s23+$0x40];
	_ =	sdelay $0x4  }
0x33: {  	v1 =	vshll.u32 v1, $0x1  }
0x34: {  	v1 =	vor.u32 v0, v1  }
0x35: {  	[tilespmem:$0x5540] =	vst v1  }
0x36: {  	v1 =	vld [tilespmem:s23+$0x50];
	_ =	sdelay $0x4  }
0x37: {  	v1 =	vshll.u32 v1, $0x1  }
0x38: {  	v1 =	vor.u32 v0, v1  }
0x39: {  	[tilespmem:$0x5550] =	vst v1  }
0x3a: {  	v1 =	vld [tilespmem:s23+$0x60];
	_ =	sdelay $0x4  }
0x3b: {  	v1 =	vshll.u32 v1, $0x1  }
0x3c: {  	v1 =	vor.u32 v0, v1  }
0x3d: {  	[tilespmem:$0x5560] =	vst v1  }
0x3e: {  	v1 =	vld [tilespmem:s23+$0x70];
	_ =	sdelay $0x4  }
0x3f: {  	v1 =	vshll.u32 v1, $0x1  }
0x40: {  	v1 =	vor.u32 v0, v1  }
0x41: {  	[tilespmem:$0x5570] =	vst v1  }
0x42: {  	[tilespmem:s20], [sflag:$0x1] =	stream.indirect.gather [hbm4b:s2+s13], $0x80, s19, s13, $0xb8;
	[tilespmem:$0x1CE80] =	vst v63  }
0x43: {  	_ =	swait.ge [sflag:s21], $0x4000  }
0x44: {  	[sflag:s21] =	ssyncset.done $0x0  }
0x45: {  	s31 =	simm.s32 $0x2900;
	[sflag:s21] =	ssyncadd.s32 $0xFFFFC000  }
0x46: {  	[spmem:s3] =	stream.indirect.scatter.add.f32 [tilespmem:s20], [sflag:$0x2], $0x80, s31, s13, $0xb8;
	[tilespmem:$0x1CE80] =	vst v63  }
0x47: {  	_ =	swait.ge [sflag:s17], $0x4000  }
0x48: {  	s26 =	simm.s32 $0x400;
	s23 =	simm.s32 $0x200;
	[sflag:s17] =	ssyncset.done $0x0  }
.LBB2_2:
0x49: {  	s25 =	sshra.s32 s23, $0x2  }
0x4a: {  	[sflag:s17] =	ssyncadd.s32 $0xFFFFC000;
	s23 =	smov.u32 s26;
	s24 =	sadd.s32 $0x200, s26  }
0x4b: {  	p0 =	sne.s32 s26, $0xA200;
	v1 =	vld [tilespmem:s25+$0x0];
	_ =	sdelay $0x4  }
0x4c: {  	v1 =	vshll.u32 v1, $0x1  }
0x4d: {  	v1 =	vor.u32 v0, v1  }
0x4e: {  	[tilespmem:$0x5500] =	vst v1  }
0x4f: {  	v1 =	vld [tilespmem:s25+$0x10];
	_ =	sdelay $0x4  }
0x50: {  	v1 =	vshll.u32 v1, $0x1  }
0x51: {  	v1 =	vor.u32 v0, v1  }
0x52: {  	[tilespmem:$0x5510] =	vst v1  }
0x53: {  	v1 =	vld [tilespmem:s25+$0x20];
	_ =	sdelay $0x4  }
0x54: {  	v1 =	vshll.u32 v1, $0x1  }
0x55: {  	v1 =	vor.u32 v0, v1  }
0x56: {  	[tilespmem:$0x5520] =	vst v1  }
0x57: {  	v1 =	vld [tilespmem:s25+$0x30];
	_ =	sdelay $0x4  }
0x58: {  	v1 =	vshll.u32 v1, $0x1  }
0x59: {  	v1 =	vor.u32 v0, v1  }
0x5a: {  	[tilespmem:$0x5530] =	vst v1  }
0x5b: {  	v1 =	vld [tilespmem:s25+$0x40];
	_ =	sdelay $0x4  }
0x5c: {  	v1 =	vshll.u32 v1, $0x1  }
0x5d: {  	v1 =	vor.u32 v0, v1  }
0x5e: {  	[tilespmem:$0x5540] =	vst v1  }
0x5f: {  	v1 =	vld [tilespmem:s25+$0x50];
	_ =	sdelay $0x4  }
0x60: {  	v1 =	vshll.u32 v1, $0x1  }
0x61: {  	v1 =	vor.u32 v0, v1  }
0x62: {  	[tilespmem:$0x5550] =	vst v1  }
0x63: {  	v1 =	vld [tilespmem:s25+$0x60];
	_ =	sdelay $0x4  }
0x64: {  	v1 =	vshll.u32 v1, $0x1  }
0x65: {  	v1 =	vor.u32 v0, v1  }
0x66: {  	[tilespmem:$0x5560] =	vst v1  }
0x67: {  	v1 =	vld [tilespmem:s25+$0x70];
	_ =	sdelay $0x4  }
0x68: {  	v1 =	vshll.u32 v1, $0x1  }
0x69: {  	v1 =	vor.u32 v0, v1  }
0x6a: {  	[tilespmem:$0x5570] =	vst v1  }
0x6b: {  	[tilespmem:s20], [sflag:$0x1] =	stream.indirect.gather [hbm4b:s2+s13], $0x80, s19, s13, $0xb8;
	[tilespmem:$0x1CE80] =	vst v63  }
0x6c: {  	_ =	swait.ge [sflag:s21], $0x4000  }
.Ltmp0:
0x6d: {  	[sflag:s21] =	ssyncset.done $0x0;
	(pc) =	sbr.rel @p0 .LBB2_2-.Ltmp0, $4  }
0x6e: {  	s25 =	sadd.s32 $0x2900, s25;
	[sflag:s21] =	ssyncadd.s32 $0xFFFFC000  }
0x6f: {  	[spmem:s3] =	stream.indirect.scatter.add.f32 [tilespmem:s20], [sflag:$0x2], $0x80, s25, s13, $0xb8;
	[tilespmem:$0x1CE80] =	vst v63  }
0x70: {  	_ =	swait.ge [sflag:s17], $0x4000  }
0x71: {  	s26 =	smov.u32 s24;
	[sflag:s17] =	ssyncset.done $0x0  }
0x72: {  	s23 =	sshra.s32 s23, $0x2;
	[sflag:s17] =	ssyncadd.s32 $0xFFFFC000  }
0x73: {  	v1 =	vld [tilespmem:s23+$0x0];
	_ =	sdelay $0x4  }
0x74: {  	v1 =	vshll.u32 v1, $0x1  }
0x75: {  	v1 =	vor.u32 v0, v1  }
0x76: {  	[tilespmem:$0x5500] =	vst v1  }
0x77: {  	v1 =	vld [tilespmem:s23+$0x10];
	_ =	sdelay $0x4  }
0x78: {  	v1 =	vshll.u32 v1, $0x1  }
0x79: {  	v1 =	vor.u32 v0, v1  }
0x7a: {  	[tilespmem:$0x5510] =	vst v1  }
0x7b: {  	v1 =	vld [tilespmem:s23+$0x20];
	_ =	sdelay $0x4  }
0x7c: {  	v1 =	vshll.u32 v1, $0x1  }
0x7d: {  	v1 =	vor.u32 v0, v1  }
0x7e: {  	[tilespmem:$0x5520] =	vst v1  }
0x7f: {  	v1 =	vld [tilespmem:s23+$0x30];
	_ =	sdelay $0x4  }
0x80: {  	v1 =	vshll.u32 v1, $0x1  }
0x81: {  	v1 =	vor.u32 v0, v1  }
0x82: {  	[tilespmem:$0x5530] =	vst v1  }
0x83: {  	v1 =	vld [tilespmem:s23+$0x40];
	_ =	sdelay $0x4  }
0x84: {  	v1 =	vshll.u32 v1, $0x1  }
0x85: {  	v1 =	vor.u32 v0, v1  }
0x86: {  	[tilespmem:$0x5540] =	vst v1  }
0x87: {  	v1 =	vld [tilespmem:s23+$0x50];
	_ =	sdelay $0x4  }
0x88: {  	v1 =	vshll.u32 v1, $0x1  }
0x89: {  	v1 =	vor.u32 v0, v1  }
0x8a: {  	[tilespmem:$0x5550] =	vst v1  }
0x8b: {  	v1 =	vld [tilespmem:s23+$0x60];
	_ =	sdelay $0x4  }
0x8c: {  	v1 =	vshll.u32 v1, $0x1  }
0x8d: {  	v1 =	vor.u32 v0, v1  }
0x8e: {  	[tilespmem:$0x5560] =	vst v1  }
0x8f: {  	v1 =	vld [tilespmem:s23+$0x70];
	_ =	sdelay $0x4  }
0x90: {  	v1 =	vshll.u32 v1, $0x1  }
0x91: {  	v1 =	vor.u32 v0, v1  }
0x92: {  	[tilespmem:$0x5570] =	vst v1  }
0x93: {  	[tilespmem:s20], [sflag:$0x1] =	stream.indirect.gather [hbm4b:s2+s13], $0x80, s19, s13, $0xb8;
	[tilespmem:$0x1CE80] =	vst v63  }
0x94: {  	_ =	swait.ge [sflag:s21], $0x4000  }
0x95: {  	[sflag:s21] =	ssyncset.done $0x0  }
0x96: {  	s23 =	sadd.s32 $0x2900, s23;
	[sflag:s21] =	ssyncadd.s32 $0xFFFFC000  }
0x97: {  	[spmem:s3] =	stream.indirect.scatter.add.f32 [tilespmem:s20], [sflag:$0x2], $0x80, s23, s13, $0xb8;
	[tilespmem:$0x1CE80] =	vst v63  }
0x98: {  	_ =	swait.ge [sflag:s17], $0x4000  }
0x99: {  	s22 =	sadd.s32 $0x1, s22;
	[sflag:s17] =	ssyncset.done $0x0  }
0x9a: {  	p0 =	sne.s32 s22, s10;
	[sflag:s17] =	ssyncadd.s32 $0xFFFFC000  }
.Ltmp1:
0x9b: {  	[bflag:$0x0] =	sbarrier.arrive $0xFFFF;
	(pc) =	sbr.rel @p0 .LBB2_1-.Ltmp1, $4  }
0x9c: {  	[hbm:s9], [sflag:s6] =	dma.local [spmem:s11], $0x2710  }
0x9d: {  	_ =	swait.ge [sflag:s17], $0x2710  }
0x9e: {  	[sflag:s17] =	ssyncset.done $0x0  }
0x9f: {  	[sflag:s17] =	ssyncadd.s32 $0xFFFFD8F0  }
0xa0: {  	_ =	sfence.sel $0x180000  }
0xa1: {  	[bflag:$0x0] =	sbarrier.arrive $0xFFFF  }
0xa2: {  	p0 =	sne.s32 s1, $0x0;
	_ =	strace $0x90000047  }
0xa3: {  	s0 =	sadd.s32 @!p0 $0x100000, s0;
	[bflag:$0x2] =	sbarrier.arrive $0xFFFF  }
0xa4: {  	[sflag:s0] =	ssyncadd.tile.s32 @!p0 $0x1;
	_ =	shalt  }
.Lfunc_end2:
_tile_overlayer_lowered:
.L_overlay_start_2:
0xa5: {  	(tag) =	ssettag $0x2  }
0xa6: {  	s0 =	rddreg [dreg:$0x0];
	s2 =	stileid.u32  }
0xa7: {  	s1 =	rddreg [dreg:$0x1];
	p0 =	sne.s32 s2, $0x0  }
0xa8: {  	s3 =	rddreg [dreg:$0x2];
	[bflag:$0x3] =	sbarrier.arrive $0xFFFF;
	s2 =	simm.s32 @!p0 $0x1C02  }
0xa9: {  	[timem:s3], [sflag:s2] =	dma.local @!p0 [hbm:s0], s1  }
0xaa: {  	s0 =	simm.s32 @!p0 $0x2  }
0xab: {  	_ =	swait.ge @!p0 [sflag:s0], s1  }
0xac: {  	s1 =	ssub.s32 @!p0 $0x0, s1;
	[sflag:s0] =	ssyncset.done @!p0 $0x0  }
0xad: {  	[sflag:s0] =	ssyncadd.s32 @!p0 s1  }
0xae: {  	[bflag:$0x3] =	sbarrier.arrive $0xFFFF  }
0xaf: {  	_ =	shalt  }

// kernel: kernel.14.cloned.1.call-start
scs
__scs_entry_jumppad:
0x0: {  	(pc) =	sbr.rel $0x88, $3  }
0x1: {  	(tag) =	ssettag $0x0;
	lr =	simm.s32 $0x1  }
0x2: {  	[smem:$0x3F99] =	sst lr;
	_ =	strace $0xD0000000  }
0x3: {  	_ = 	snop  }
0x4: {  	_ = 	snop  }
0x5: {  	_ = 	snop  }
0x6: {  	_ = 	snop  }
0x7: {  	_ = 	snop  }
__scs_overlays_trampoline_lowered:
0x8: {  	[smem:$0x3FA8] =	sst s0  }
0x9: {  	[smem:$0x3FA9] =	sst s1  }
0xa: {  	[smem:$0x3FAA] =	sst s2  }
0xb: {  	[smem:$0x3FAB] =	sst s3  }
0xc: {  	[smem:$0x3FAC] =	sst s4  }
0xd: {  	[smem:$0x3FAD] =	sst s5  }
0xe: {  	[smem:$0x3FAE] =	sst s6  }
0xf: {  	[smem:$0x3FAF] =	sst s7  }
0x10: {  	[smem:$0x3FB0] =	sst s8  }
0x11: {  	[smem:$0x3FB1] =	sst s9;
	s0 =	simm.s32 @!p0 $0x0  }
0x12: {  	s1 =	sld [smem:$0x3F97];
	s0 =	simm.s32 @p0 $0x1  }
0x13: {  	[smem:$0x3FB2] =	sst s0;
	s0 =	simm.s32 @!p1 $0x0  }
0x14: {  	s2 =	sld [smem:$0x3F96];
	s0 =	simm.s32 @p1 $0x1  }
0x15: {  	[smem:$0x3FB3] =	sst s0;
	s0 =	simm.s32 @!p2 $0x0  }
0x16: {  	s3 =	sld [smem:$0x3FDB];
	s0 =	simm.s32 @p2 $0x1  }
0x17: {  	s4 =	simm.s32 $0x1BF5;
	[smem:$0x3FB5] =	sst s0  }
0x18: {  	s0 =	sld [smem:$0x3F98];
	_ =	swait.ge [sflag:s4], $0x0  }
0x19: {  	s7 =	sld [smem:$0x3F99]  }
0x1a: {  	s8 =	sadd.s32 $0xFFFFE003, lr  }
0x1b: {  	s9 =	sadd.s32 $0xFFFFFEF7, lr;
	s5 =	simm.s32 $0xFFFFFFFF;
	p2 =	slt.u32 s8, $0xFFFFF086  }
0x1c: {  	p1 =	slt.u32 s9, $0xF7A;
	s5 =	simm.s32 @!p2 $0x0  }
0x1d: {  	s5 =	simm.s32 @p1 $0x1;
	p0 =	seq.s32 s7, s2  }
0x1e: {  	s7 =	smul.u32 @!p0 $0xF7A, s2;
	p2 =	seq.s32 @!p0 s5, $0x0  }
0x1f: {  	s9 =	smul.u32 $0xF7A, s1;
	s8 =	simm.s32 @!p0 $0x1BF5;
	p2 =	por !p2, p0  }
0x20: {  	[sflag:s8] =	ssyncset.s32 @!p0 $0xFFFFF086;
	s6 =	sadd.s32 @!p0 s3, s7;
	s7 =	simm.s32 @!p0 $0x108  }
0x21: {  	s3 =	sadd.s32 s3, s9;
	s6 =	sadd.s32 @!p0 $0x88, s6;
	s7 =	simm.s32 @p2 $0x1082  }
0x22: {  	[simem:s7], [sflag:s8] =	dma.local @!p0 [hbm:s6], $0xF7A  }
0x23: {  	s9 =	sor.u32 $0xD0000000, s2;
	s6 =	simm.s32 $0x108;
	_ =	swait.ge @!p0 [sflag:s8], $0x0  }
0x24: {  	s3 =	sadd.s32 $0x88, s3;
	s6 =	simm.s32 @!p1 $0x1082;
	[sflag:s4] =	ssyncset.s32 $0xFFFFF086  }
0x25: {  	[simem:s6], [sflag:s4] =	dma.local [hbm:s3], $0xF7A  }
0x26: {  	[smem:$0x3F99] =	sst s1;
	(tag) =	ssettag s2;
	_ =	strace s9  }
0x27: {  	s1 =	sld [smem:$0x3FA9]  }
0x28: {  	s2 =	sld [smem:$0x3FAA]  }
0x29: {  	s4 =	sld [smem:$0x3FAC]  }
0x2a: {  	p0 =	seq.s32 s5, $0x0;
	s5 =	sld [smem:$0x3FAD]  }
0x2b: {  	s6 =	sld [smem:$0x3FAE]  }
0x2c: {  	s7 =	sld [smem:$0x3FAF]  }
0x2d: {  	s3 =	simm.s32 $0x108;
	s8 =	sld [smem:$0x3FB0]  }
0x2e: {  	s3 =	simm.s32 @!p0 $0x1082;
	s9 =	sld [smem:$0x3FB1]  }
0x2f: {  	lr =	sadd.s32 s0, s3;
	s0 =	sld [smem:$0x3FA8]  }
0x30: {  	s3 =	sld [smem:$0x3FAB]  }
0x31: {  	[smem:$0x3FB4] =	sst s10  }
0x32: {  	s10 =	sld [smem:$0x3FB2];
	_ =	sdelay $0x3  }
0x33: {  	p0 =	seq.s32 s10, $0x1;
	s10 =	sld [smem:$0x3FB4];
	_ =	sdelay $0x3  }
0x34: {  	[smem:$0x3FB4] =	sst s10  }
0x35: {  	s10 =	sld [smem:$0x3FB3];
	_ =	sdelay $0x3  }
0x36: {  	p1 =	seq.s32 s10, $0x1;
	s10 =	sld [smem:$0x3FB4];
	_ =	sdelay $0x3  }
0x37: {  	[smem:$0x3FB4] =	sst s10  }
0x38: {  	s10 =	sld [smem:$0x3FB5]  }
0x39: {  	_ = 	snop;
	(pc) =	sbr.ind lr, $3  }
0x3a: {  	_ = 	snop  }
0x3b: {  	_ = 	snop  }
0x3c: {  	p2 =	seq.s32 s10, $0x1;
	s10 =	sld [smem:$0x3FB4]  }
0x3d: {  	_ =	shalt  }
0x3e: {  	_ =	shalt  }
0x3f: {  	_ =	shalt  }
0x40: {  	_ =	shalt  }
0x41: {  	_ =	shalt  }
0x42: {  	_ =	shalt  }
0x43: {  	_ =	shalt  }
0x44: {  	_ =	shalt  }
0x45: {  	_ =	shalt  }
0x46: {  	_ =	shalt  }
0x47: {  	_ =	shalt  }
0x48: {  	_ =	shalt  }
0x49: {  	_ =	shalt  }
0x4a: {  	_ =	shalt  }
0x4b: {  	_ =	shalt  }
0x4c: {  	_ =	shalt  }
0x4d: {  	_ =	shalt  }
0x4e: {  	_ =	shalt  }
0x4f: {  	_ =	shalt  }
0x50: {  	_ =	shalt  }
0x51: {  	_ =	shalt  }
0x52: {  	_ =	shalt  }
0x53: {  	_ =	shalt  }
0x54: {  	_ =	shalt  }
0x55: {  	_ =	shalt  }
0x56: {  	_ =	shalt  }
0x57: {  	_ =	shalt  }
0x58: {  	_ =	shalt  }
0x59: {  	_ =	shalt  }
0x5a: {  	_ =	shalt  }
0x5b: {  	_ =	shalt  }
0x5c: {  	_ =	shalt  }
0x5d: {  	_ =	shalt  }
0x5e: {  	_ =	shalt  }
0x5f: {  	_ =	shalt  }
0x60: {  	_ =	shalt  }
0x61: {  	_ =	shalt  }
0x62: {  	_ =	shalt  }
0x63: {  	_ =	shalt  }
0x64: {  	_ =	shalt  }
0x65: {  	_ =	shalt  }
0x66: {  	_ =	shalt  }
0x67: {  	_ =	shalt  }
0x68: {  	_ =	shalt  }
0x69: {  	_ =	shalt  }
0x6a: {  	_ =	shalt  }
0x6b: {  	_ =	shalt  }
0x6c: {  	_ =	shalt  }
0x6d: {  	_ =	shalt  }
0x6e: {  	_ =	shalt  }
0x6f: {  	_ =	shalt  }
0x70: {  	_ =	shalt  }
0x71: {  	_ =	shalt  }
0x72: {  	_ =	shalt  }
0x73: {  	_ =	shalt  }
0x74: {  	_ =	shalt  }
0x75: {  	_ =	shalt  }
0x76: {  	_ =	shalt  }
0x77: {  	_ =	shalt  }
0x78: {  	_ =	shalt  }
0x79: {  	_ =	shalt  }
0x7a: {  	_ =	shalt  }
0x7b: {  	_ =	shalt  }
0x7c: {  	_ =	shalt  }
0x7d: {  	_ =	shalt  }
0x7e: {  	_ =	shalt  }
0x7f: {  	_ =	shalt  }
0x80: {  	_ =	shalt  }
0x81: {  	_ =	shalt  }
0x82: {  	_ =	shalt  }
0x83: {  	_ =	shalt  }
0x84: {  	_ =	shalt  }
0x85: {  	_ =	shalt  }
0x86: {  	_ =	shalt  }
0x87: {  	_ =	shalt  }
.Lfunc_end0:
.L_simem_size_0:
called_computation.1_lowered:
.L_overlay_start_0:
0x88: {  	s2 =	sld [smem:$0x3FD9]  }
0x89: {  	s3 =	sld [smem:$0x3FFE];
	_ =	sdelay $0x1  }
0x8a: {  	s1 =	srdreg.scid  }
0x8b: {  	s0 =	sand.u32 $0x1, s1  }
0x8c: {  	s17 =	sshll.u32 s0, $0xA;
	s2 =	sadd.s32 s3, s2  }
0x8d: {  	s2 =	sadd.s32 s2, s17  }
0x8e: {  	[smem:$0x3FC0] =	sst s2  }
0x8f: {  	_ = 	snop  }
0x90: {  	s2 =	sld [smem:$0x3FD0];
	(tm) =	ssettm $0x1  }
0x91: {  	s18 =	sld [smem:$0x3FFB];
	_ =	sdelay $0x3  }
0x92: {  	_ =	strace s18  }
0x93: {  	s3 =	sld [smem:$0x3FFC];
	_ =	sdelay $0x3  }
0x94: {  	_ =	strace s3  }
0x95: {  	s3 =	sld [smem:$0x3FFD];
	_ =	sdelay $0x3  }
0x96: {  	_ =	strace s3  }
0x97: {  	_ =	strace $0x8FFFFFFF  }
0x98: {  	s19 =	sld [smem:$0x3FDB];
	_ =	sdelay $0x1  }
0x99: {  	s4 =	simm.s32 $_scs_section_size  }
0x9a: {  	s5 =	simm.s32 $_size__tile_overlayer_lowered;
	s6 =	simm.s32 $_tile_overlayer_lowered  }
0x9b: {  	s22 =	simm.s32 $0x1BFF;
	s21 =	sshll.u32 s6, $0x1;
	s3 =	sadd.s32 s4, s19  }
0x9c: {  	s7 =	simm.s32 $0x0;
	s20 =	sshll.u32 s5, $0x1;
	s5 =	sadd.s32 s21, s3  }
0x9d: {  	[timem:s7], [sflag:s22] =	dma.local [hbm:s5], s20  }
0x9e: {  	_ =	swait.ge [sflag:s22], s20  }
0x9f: {  	s4 =	ssub.s32 $0x0, s20;
	[sflag:s22] =	ssyncset.done $0x0  }
0xa0: {  	[sflag:s22] =	ssyncadd.s32 s4;
	_ =	sdelay $0x1  }
0xa1: {  	s23 =	simm.s32 $0x1B8B  }
0xa2: {  	_ =	swait.ge [sflag:s23], $0x1  }
0xa3: {  	[sflag:s23] =	ssyncset.done $0x0  }
0xa4: {  	s25 =	simm.s32 $0x1B8E;
	s24 =	sld [smem:$0x3FFE];
	[sflag:s23] =	ssyncadd.s32 $0xFFFFFFFF  }
0xa5: {  	s26 =	simm.s32 $execute0_lowered;
	[smem:$0x3FD2] =	sst s25  }
0xa6: {  	s5 =	sshll.u32 s26, $0x1;
	_ =	strace $0x80000049;
	[dreg:$0x1] =	wrdreg $0xFFFFFFFF  }
0xa7: {  	s28 =	simm.s32 $_size_execute0_lowered;
	s3 =	sadd.s32 s3, s5;
	[dreg:$0x0] =	wrdreg $0x0  }
0xa8: {  	s5 =	sshll.u32 s28, $0x1;
	[dreg:$0x2] =	wrdreg s3  }
0xa9: {  	[dreg:$0x3] =	wrdreg s5  }
0xaa: {  	[dreg:$0x4] =	wrdreg $0xC0  }
0xab: {  	_ =	task [dreg:s7], $0x5FFFF  }
0xac: {  	[dreg:$0x1] =	wrdreg $0xFFFFFFFF  }
0xad: {  	[dreg:$0x0] =	wrdreg $0x60  }
0xae: {  	[dreg:$0x2] =	wrdreg s24  }
0xaf: {  	[dreg:$0x3] =	wrdreg s2  }
0xb0: {  	[dreg:$0x4] =	wrdreg $0x95800  }
0xb1: {  	[dreg:$0x5] =	wrdreg $0x9  }
0xb2: {  	_ =	task.clear_ibuf [dreg:s7], $0x6FFFF;
	_ =	strace $0x90000049  }
0xb3: {  	s29 =	simm.s32 $0x9;
	_ =	strace $0x8000004B  }
0xb4: {  	_ =	swait.ge [sflag:s29], $0x1  }
0xb5: {  	[sflag:s29] =	ssyncadd.s32 $0xFFFFFFFF  }
0xb6: {  	_ =	strace $0x9000004B  }
0xb7: {  	_ =	sfence  }
0xb8: {  	s30 =	sld [smem:$0x0];
	_ =	sdelay $0x2  }
0xb9: {  	s31 =	sshll.u32 s1, $0xD;
	s1 =	sshrl.u32 s1, $0x2  }
0xba: {  	s3 =	sand.u32 $0x4000, s31;
	s1 =	sadd.s32 s1, s30  }
0xbb: {  	s0 =	sor.u32 s3, s0;
	s1 =	sshll.u32 s1, $0x11  }
0xbc: {  	s0 =	sor.u32 s1, s0  }
0xbd: {  	s0 =	sadd.s32 $0x8F2B, s0  }
0xbe: {  	[sflag:s0] =	ssyncadd.remote.s32 $0x1  }
0xbf: {  	_ =	sfence.sel $0xFFFF  }
0xc0: {  	[dreg:$0x0] =	wrdreg $0xFFFFFFFF;
	(pc) =	sbr.abs _section_cstart, $3  }
0xc1: {  	[dreg:$0x1] =	wrdreg $0xFFFFFFFF  }
0xc2: {  	_ =	task.clear_ibuf [dreg:s7], $0x2FFFF;
	_ =	strace $0x9FFFFFFF  }
0xc3: {  	(tm) =	ssettm $0x7FFFFFFF  }
tec
execute0_lowered:
.L_overlay_start_1:
0x0: {  	(tag) =	ssettag $0x1  }
0x1: {  	s5 =	rddreg [dreg:$0x0]  }
0x2: {  	s2 =	rddreg [dreg:$0x1]  }
0x3: {  	s3 =	rddreg [dreg:$0x2]  }
0x4: {  	s4 =	srdreg.scid;
	s1 =	stileid.u32  }
0x5: {  	s0 =	rddreg [dreg:$0x3];
	s14 =	simm.s32 $0x100;
	s6 =	smul.u32 $0x27800, s1  }
0x6: {  	s17 =	simm.s32 $0x2;
	s18 =	simm.s32 $0x2900;
	s8 =	smul.u32 $0x520, s1  }
0x7: {  	s19 =	simm.s32 $0x5500;
	s21 =	simm.s32 $0x1;
	s9 =	smul.u32 $0x13C00, s1  }
0x8: {  	s22 =	simm.s32 $0x0;
	s20 =	sand.u32 $0x1, s4;
	s10 =	smul.u32 $0x580, s1  }
0x9: {  	s4 =	simm.s32 $0x0;
	s11 =	smul.u32 $0x4E200, s1;
	s31 =	sshll.u32 s1, $0x6  }
0xa: {  	s7 =	sshll.u32 s20, $0xA;
	[smem:$0x7FF] =	sst s4;
	s28 =	smul.u32 $0x13C000, s20  }
0xb: {  	s29 =	ssub.s32 $0x2, s20;
	v0 =	vmov s20;
	s20 =	simm.s32 $0x5580;
	s6 =	sor.u32 s7, s6  }
0xc: {  	_ =	strace $0x8000004A;
	s8 =	sadd.s32 s8, s5;
	s10 =	sadd.s32 s10, s5  }
0xd: {  	s12 =	sshrl.u32 s29, $0x1;
	s30 =	sshrl.u32 s11, $0x2;
	s6 =	sshrl.u32 s6, $0x3  }
0xe: {  	s7 =	sadd.s32 s9, s28;
	s12 =	ssub.s32 s29, s12;
	s11 =	sadd.s32 s30, s3  }
0xf: {  	s6 =	sadd.s32 s6, s5;
	s7 =	sshrl.u32 s7, $0x3;
	s16 =	sadd.s32 $0x13800, s11  }
0x10: {  	s11 =	sshrl.u32 s11, $0x3;
	s13 =	sadd.s32 s7, s5;
	s5 =	sadd.s32 $0x2400, s6  }
0x11: {  	s6 =	sor.u32 $0x1C02, s31;
	s7 =	sadd.s32 $0x56C00, s8;
	s8 =	sadd.s32 $0x51400, s10  }
0x12: {  	s10 =	smax.u32 s12, $0x1;
	s12 =	simm.s32 $0x8;
	s16 =	sshrl.u32 s16, $0x3  }
0x13: {  	s9 =	sadd.s32 $0x5BE00, s13;
	s13 =	simm.s32 $0x80;
	s15 =	sadd.s32 $0x4E00, s5  }
.LBB2_1:
0x14: {  	[spmem:s11@s13], [sflag:s6] =	dma.strided [hbm:s5@s14], $0x2700, s12, $0x10   }
0x15: {  	[spmem:s16], [sflag:s6] =	dma.local [hbm:s15], $0x10  }
0x16: {  	_ =	swait.ge [sflag:s17], $0x2710  }
0x17: {  	[sflag:s17] =	ssyncset.done $0x0  }
0x18: {  	[sflag:s17] =	ssyncadd.s32 $0xFFFFD8F0  }
0x19: {  	[tilespmem:s4], [sflag:$0x2] =	stream.linear.gather [hbm4b:s7+s4], $0x2900, $0x38;
	[tilespmem:$0x1CE80] =	vst v63  }
0x1a: {  	_ =	swait.ge [sflag:s17], $0x2900  }
0x1b: {  	[sflag:s17] =	ssyncset.done $0x0  }
0x1c: {  	[sflag:s17] =	ssyncadd.s32 $0xFFFFD700  }
0x1d: {  	[tilespmem:s18], [sflag:$0x2] =	stream.linear.gather [hbm4b:s8+s4], $0x2900, $0x38;
	[tilespmem:$0x1CE80] =	vst v63  }
0x1e: {  	_ =	swait.ge [sflag:s17], $0x2900  }
0x1f: {  	[sflag:s17] =	ssyncset.done $0x0  }
0x20: {  	[sflag:s17] =	ssyncadd.s32 $0xFFFFD700  }
0x21: {  	s23 =	simm.s32 $0x0;
	[bflag:$0x0] =	sbarrier.arrive $0xFFFF  }
0x22: {  	v1 =	vld [tilespmem:s23+$0x0];
	_ =	sdelay $0x4  }
0x23: {  	v1 =	vshll.u32 v1, $0x1  }
0x24: {  	v1 =	vor.u32 v0, v1  }
0x25: {  	[tilespmem:$0x5500] =	vst v1  }
0x26: {  	v1 =	vld [tilespmem:s23+$0x10];
	_ =	sdelay $0x4  }
0x27: {  	v1 =	vshll.u32 v1, $0x1  }
0x28: {  	v1 =	vor.u32 v0, v1  }
0x29: {  	[tilespmem:$0x5510] =	vst v1  }
0x2a: {  	v1 =	vld [tilespmem:s23+$0x20];
	_ =	sdelay $0x4  }
0x2b: {  	v1 =	vshll.u32 v1, $0x1  }
0x2c: {  	v1 =	vor.u32 v0, v1  }
0x2d: {  	[tilespmem:$0x5520] =	vst v1  }
0x2e: {  	v1 =	vld [tilespmem:s23+$0x30];
	_ =	sdelay $0x4  }
0x2f: {  	v1 =	vshll.u32 v1, $0x1  }
0x30: {  	v1 =	vor.u32 v0, v1  }
0x31: {  	[tilespmem:$0x5530] =	vst v1  }
0x32: {  	v1 =	vld [tilespmem:s23+$0x40];
	_ =	sdelay $0x4  }
0x33: {  	v1 =	vshll.u32 v1, $0x1  }
0x34: {  	v1 =	vor.u32 v0, v1  }
0x35: {  	[tilespmem:$0x5540] =	vst v1  }
0x36: {  	v1 =	vld [tilespmem:s23+$0x50];
	_ =	sdelay $0x4  }
0x37: {  	v1 =	vshll.u32 v1, $0x1  }
0x38: {  	v1 =	vor.u32 v0, v1  }
0x39: {  	[tilespmem:$0x5550] =	vst v1  }
0x3a: {  	v1 =	vld [tilespmem:s23+$0x60];
	_ =	sdelay $0x4  }
0x3b: {  	v1 =	vshll.u32 v1, $0x1  }
0x3c: {  	v1 =	vor.u32 v0, v1  }
0x3d: {  	[tilespmem:$0x5560] =	vst v1  }
0x3e: {  	v1 =	vld [tilespmem:s23+$0x70];
	_ =	sdelay $0x4  }
0x3f: {  	v1 =	vshll.u32 v1, $0x1  }
0x40: {  	v1 =	vor.u32 v0, v1  }
0x41: {  	[tilespmem:$0x5570] =	vst v1  }
0x42: {  	[tilespmem:s20], [sflag:$0x1] =	stream.indirect.gather [hbm4b:s2+s13], $0x80, s19, s13, $0xb8;
	[tilespmem:$0x1CE80] =	vst v63  }
0x43: {  	_ =	swait.ge [sflag:s21], $0x4000  }
0x44: {  	[sflag:s21] =	ssyncset.done $0x0  }
0x45: {  	s31 =	simm.s32 $0x2900;
	[sflag:s21] =	ssyncadd.s32 $0xFFFFC000  }
0x46: {  	[spmem:s3] =	stream.indirect.scatter.add.f32 [tilespmem:s20], [sflag:$0x2], $0x80, s31, s13, $0xb8;
	[tilespmem:$0x1CE80] =	vst v63  }
0x47: {  	_ =	swait.ge [sflag:s17], $0x4000  }
0x48: {  	s26 =	simm.s32 $0x400;
	s23 =	simm.s32 $0x200;
	[sflag:s17] =	ssyncset.done $0x0  }
.LBB2_2:
0x49: {  	s25 =	sshra.s32 s23, $0x2  }
0x4a: {  	[sflag:s17] =	ssyncadd.s32 $0xFFFFC000;
	s23 =	smov.u32 s26;
	s24 =	sadd.s32 $0x200, s26  }
0x4b: {  	p0 =	sne.s32 s26, $0xA200;
	v1 =	vld [tilespmem:s25+$0x0];
	_ =	sdelay $0x4  }
0x4c: {  	v1 =	vshll.u32 v1, $0x1  }
0x4d: {  	v1 =	vor.u32 v0, v1  }
0x4e: {  	[tilespmem:$0x5500] =	vst v1  }
0x4f: {  	v1 =	vld [tilespmem:s25+$0x10];
	_ =	sdelay $0x4  }
0x50: {  	v1 =	vshll.u32 v1, $0x1  }
0x51: {  	v1 =	vor.u32 v0, v1  }
0x52: {  	[tilespmem:$0x5510] =	vst v1  }
0x53: {  	v1 =	vld [tilespmem:s25+$0x20];
	_ =	sdelay $0x4  }
0x54: {  	v1 =	vshll.u32 v1, $0x1  }
0x55: {  	v1 =	vor.u32 v0, v1  }
0x56: {  	[tilespmem:$0x5520] =	vst v1  }
0x57: {  	v1 =	vld [tilespmem:s25+$0x30];
	_ =	sdelay $0x4  }
0x58: {  	v1 =	vshll.u32 v1, $0x1  }
0x59: {  	v1 =	vor.u32 v0, v1  }
0x5a: {  	[tilespmem:$0x5530] =	vst v1  }
0x5b: {  	v1 =	vld [tilespmem:s25+$0x40];
	_ =	sdelay $0x4  }
0x5c: {  	v1 =	vshll.u32 v1, $0x1  }
0x5d: {  	v1 =	vor.u32 v0, v1  }
0x5e: {  	[tilespmem:$0x5540] =	vst v1  }
0x5f: {  	v1 =	vld [tilespmem:s25+$0x50];
	_ =	sdelay $0x4  }
0x60: {  	v1 =	vshll.u32 v1, $0x1  }
0x61: {  	v1 =	vor.u32 v0, v1  }
0x62: {  	[tilespmem:$0x5550] =	vst v1  }
0x63: {  	v1 =	vld [tilespmem:s25+$0x60];
	_ =	sdelay $0x4  }
0x64: {  	v1 =	vshll.u32 v1, $0x1  }
0x65: {  	v1 =	vor.u32 v0, v1  }
0x66: {  	[tilespmem:$0x5560] =	vst v1  }
0x67: {  	v1 =	vld [tilespmem:s25+$0x70];
	_ =	sdelay $0x4  }
0x68: {  	v1 =	vshll.u32 v1, $0x1  }
0x69: {  	v1 =	vor.u32 v0, v1  }
0x6a: {  	[tilespmem:$0x5570] =	vst v1  }
0x6b: {  	[tilespmem:s20], [sflag:$0x1] =	stream.indirect.gather [hbm4b:s2+s13], $0x80, s19, s13, $0xb8;
	[tilespmem:$0x1CE80] =	vst v63  }
0x6c: {  	_ =	swait.ge [sflag:s21], $0x4000  }
.Ltmp0:
0x6d: {  	[sflag:s21] =	ssyncset.done $0x0;
	(pc) =	sbr.rel @p0 .LBB2_2-.Ltmp0, $4  }
0x6e: {  	s25 =	sadd.s32 $0x2900, s25;
	[sflag:s21] =	ssyncadd.s32 $0xFFFFC000  }
0x6f: {  	[spmem:s3] =	stream.indirect.scatter.add.f32 [tilespmem:s20], [sflag:$0x2], $0x80, s25, s13, $0xb8;
	[tilespmem:$0x1CE80] =	vst v63  }
0x70: {  	_ =	swait.ge [sflag:s17], $0x4000  }
0x71: {  	s26 =	smov.u32 s24;
	[sflag:s17] =	ssyncset.done $0x0  }
0x72: {  	s23 =	sshra.s32 s23, $0x2;
	[sflag:s17] =	ssyncadd.s32 $0xFFFFC000  }
0x73: {  	v1 =	vld [tilespmem:s23+$0x0];
	_ =	sdelay $0x4  }
0x74: {  	v1 =	vshll.u32 v1, $0x1  }
0x75: {  	v1 =	vor.u32 v0, v1  }
0x76: {  	[tilespmem:$0x5500] =	vst v1  }
0x77: {  	v1 =	vld [tilespmem:s23+$0x10];
	_ =	sdelay $0x4  }
0x78: {  	v1 =	vshll.u32 v1, $0x1  }
0x79: {  	v1 =	vor.u32 v0, v1  }
0x7a: {  	[tilespmem:$0x5510] =	vst v1  }
0x7b: {  	v1 =	vld [tilespmem:s23+$0x20];
	_ =	sdelay $0x4  }
0x7c: {  	v1 =	vshll.u32 v1, $0x1  }
0x7d: {  	v1 =	vor.u32 v0, v1  }
0x7e: {  	[tilespmem:$0x5520] =	vst v1  }
0x7f: {  	v1 =	vld [tilespmem:s23+$0x30];
	_ =	sdelay $0x4  }
0x80: {  	v1 =	vshll.u32 v1, $0x1  }
0x81: {  	v1 =	vor.u32 v0, v1  }
0x82: {  	[tilespmem:$0x5530] =	vst v1  }
0x83: {  	v1 =	vld [tilespmem:s23+$0x40];
	_ =	sdelay $0x4  }
0x84: {  	v1 =	vshll.u32 v1, $0x1  }
0x85: {  	v1 =	vor.u32 v0, v1  }
0x86: {  	[tilespmem:$0x5540] =	vst v1  }
0x87: {  	v1 =	vld [tilespmem:s23+$0x50];
	_ =	sdelay $0x4  }
0x88: {  	v1 =	vshll.u32 v1, $0x1  }
0x89: {  	v1 =	vor.u32 v0, v1  }
0x8a: {  	[tilespmem:$0x5550] =	vst v1  }
0x8b: {  	v1 =	vld [tilespmem:s23+$0x60];
	_ =	sdelay $0x4  }
0x8c: {  	v1 =	vshll.u32 v1, $0x1  }
0x8d: {  	v1 =	vor.u32 v0, v1  }
0x8e: {  	[tilespmem:$0x5560] =	vst v1  }
0x8f: {  	v1 =	vld [tilespmem:s23+$0x70];
	_ =	sdelay $0x4  }
0x90: {  	v1 =	vshll.u32 v1, $0x1  }
0x91: {  	v1 =	vor.u32 v0, v1  }
0x92: {  	[tilespmem:$0x5570] =	vst v1  }
0x93: {  	[tilespmem:s20], [sflag:$0x1] =	stream.indirect.gather [hbm4b:s2+s13], $0x80, s19, s13, $0xb8;
	[tilespmem:$0x1CE80] =	vst v63  }
0x94: {  	_ =	swait.ge [sflag:s21], $0x4000  }
0x95: {  	[sflag:s21] =	ssyncset.done $0x0  }
0x96: {  	s23 =	sadd.s32 $0x2900, s23;
	[sflag:s21] =	ssyncadd.s32 $0xFFFFC000  }
0x97: {  	[spmem:s3] =	stream.indirect.scatter.add.f32 [tilespmem:s20], [sflag:$0x2], $0x80, s23, s13, $0xb8;
	[tilespmem:$0x1CE80] =	vst v63  }
0x98: {  	_ =	swait.ge [sflag:s17], $0x4000  }
0x99: {  	s22 =	sadd.s32 $0x1, s22;
	[sflag:s17] =	ssyncset.done $0x0  }
0x9a: {  	p0 =	sne.s32 s22, s10;
	[sflag:s17] =	ssyncadd.s32 $0xFFFFC000  }
.Ltmp1:
0x9b: {  	[bflag:$0x0] =	sbarrier.arrive $0xFFFF;
	(pc) =	sbr.rel @p0 .LBB2_1-.Ltmp1, $4  }
0x9c: {  	[hbm:s9], [sflag:s6] =	dma.local [spmem:s11], $0x2710  }
0x9d: {  	_ =	swait.ge [sflag:s17], $0x2710  }
0x9e: {  	[sflag:s17] =	ssyncset.done $0x0  }
0x9f: {  	[sflag:s17] =	ssyncadd.s32 $0xFFFFD8F0  }
0xa0: {  	_ =	sfence.sel $0x180000  }
0xa1: {  	[bflag:$0x0] =	sbarrier.arrive $0xFFFF  }
0xa2: {  	p0 =	sne.s32 s1, $0x0;
	_ =	strace $0x9000004A  }
0xa3: {  	s0 =	sadd.s32 @!p0 $0x100000, s0;
	[bflag:$0x2] =	sbarrier.arrive $0xFFFF  }
0xa4: {  	[sflag:s0] =	ssyncadd.tile.s32 @!p0 $0x1;
	_ =	shalt  }
.Lfunc_end2:
_tile_overlayer_lowered:
.L_overlay_start_2:
0xa5: {  	(tag) =	ssettag $0x2  }
0xa6: {  	s0 =	rddreg [dreg:$0x0];
	s2 =	stileid.u32  }
0xa7: {  	s1 =	rddreg [dreg:$0x1];
	p0 =	sne.s32 s2, $0x0  }
0xa8: {  	s3 =	rddreg [dreg:$0x2];
	[bflag:$0x3] =	sbarrier.arrive $0xFFFF;
	s2 =	simm.s32 @!p0 $0x1C02  }
0xa9: {  	[timem:s3], [sflag:s2] =	dma.local @!p0 [hbm:s0], s1  }
0xaa: {  	s0 =	simm.s32 @!p0 $0x2  }
0xab: {  	_ =	swait.ge @!p0 [sflag:s0], s1  }
0xac: {  	s1 =	ssub.s32 @!p0 $0x0, s1;
	[sflag:s0] =	ssyncset.done @!p0 $0x0  }
0xad: {  	[sflag:s0] =	ssyncadd.s32 @!p0 s1  }
0xae: {  	[bflag:$0x3] =	sbarrier.arrive $0xFFFF  }
0xaf: {  	_ =	shalt  }

// kernel: kernel.17.cloned.1.call-start
scs
__scs_entry_jumppad:
0x0: {  	(pc) =	sbr.rel $0x88, $3  }
0x1: {  	(tag) =	ssettag $0x0;
	lr =	simm.s32 $0x1  }
0x2: {  	[smem:$0x3F99] =	sst lr;
	_ =	strace $0xD0000000  }
0x3: {  	_ = 	snop  }
0x4: {  	_ = 	snop  }
0x5: {  	_ = 	snop  }
0x6: {  	_ = 	snop  }
0x7: {  	_ = 	snop  }
__scs_overlays_trampoline_lowered:
0x8: {  	[smem:$0x3FA8] =	sst s0  }
0x9: {  	[smem:$0x3FA9] =	sst s1  }
0xa: {  	[smem:$0x3FAA] =	sst s2  }
0xb: {  	[smem:$0x3FAB] =	sst s3  }
0xc: {  	[smem:$0x3FAC] =	sst s4  }
0xd: {  	[smem:$0x3FAD] =	sst s5  }
0xe: {  	[smem:$0x3FAE] =	sst s6  }
0xf: {  	[smem:$0x3FAF] =	sst s7  }
0x10: {  	[smem:$0x3FB0] =	sst s8  }
0x11: {  	[smem:$0x3FB1] =	sst s9;
	s0 =	simm.s32 @!p0 $0x0  }
0x12: {  	s1 =	sld [smem:$0x3F97];
	s0 =	simm.s32 @p0 $0x1  }
0x13: {  	[smem:$0x3FB2] =	sst s0;
	s0 =	simm.s32 @!p1 $0x0  }
0x14: {  	s2 =	sld [smem:$0x3F96];
	s0 =	simm.s32 @p1 $0x1  }
0x15: {  	[smem:$0x3FB3] =	sst s0;
	s0 =	simm.s32 @!p2 $0x0  }
0x16: {  	s3 =	sld [smem:$0x3FDB];
	s0 =	simm.s32 @p2 $0x1  }
0x17: {  	s4 =	simm.s32 $0x1BF5;
	[smem:$0x3FB5] =	sst s0  }
0x18: {  	s0 =	sld [smem:$0x3F98];
	_ =	swait.ge [sflag:s4], $0x0  }
0x19: {  	s7 =	sld [smem:$0x3F99]  }
0x1a: {  	s8 =	sadd.s32 $0xFFFFE003, lr  }
0x1b: {  	s9 =	sadd.s32 $0xFFFFFEF7, lr;
	s5 =	simm.s32 $0xFFFFFFFF;
	p2 =	slt.u32 s8, $0xFFFFF086  }
0x1c: {  	p1 =	slt.u32 s9, $0xF7A;
	s5 =	simm.s32 @!p2 $0x0  }
0x1d: {  	s5 =	simm.s32 @p1 $0x1;
	p0 =	seq.s32 s7, s2  }
0x1e: {  	s7 =	smul.u32 @!p0 $0xF7A, s2;
	p2 =	seq.s32 @!p0 s5, $0x0  }
0x1f: {  	s9 =	smul.u32 $0xF7A, s1;
	s8 =	simm.s32 @!p0 $0x1BF5;
	p2 =	por !p2, p0  }
0x20: {  	[sflag:s8] =	ssyncset.s32 @!p0 $0xFFFFF086;
	s6 =	sadd.s32 @!p0 s3, s7;
	s7 =	simm.s32 @!p0 $0x108  }
0x21: {  	s3 =	sadd.s32 s3, s9;
	s6 =	sadd.s32 @!p0 $0x88, s6;
	s7 =	simm.s32 @p2 $0x1082  }
0x22: {  	[simem:s7], [sflag:s8] =	dma.local @!p0 [hbm:s6], $0xF7A  }
0x23: {  	s9 =	sor.u32 $0xD0000000, s2;
	s6 =	simm.s32 $0x108;
	_ =	swait.ge @!p0 [sflag:s8], $0x0  }
0x24: {  	s3 =	sadd.s32 $0x88, s3;
	s6 =	simm.s32 @!p1 $0x1082;
	[sflag:s4] =	ssyncset.s32 $0xFFFFF086  }
0x25: {  	[simem:s6], [sflag:s4] =	dma.local [hbm:s3], $0xF7A  }
0x26: {  	[smem:$0x3F99] =	sst s1;
	(tag) =	ssettag s2;
	_ =	strace s9  }
0x27: {  	s1 =	sld [smem:$0x3FA9]  }
0x28: {  	s2 =	sld [smem:$0x3FAA]  }
0x29: {  	s4 =	sld [smem:$0x3FAC]  }
0x2a: {  	p0 =	seq.s32 s5, $0x0;
	s5 =	sld [smem:$0x3FAD]  }
0x2b: {  	s6 =	sld [smem:$0x3FAE]  }
0x2c: {  	s7 =	sld [smem:$0x3FAF]  }
0x2d: {  	s3 =	simm.s32 $0x108;
	s8 =	sld [smem:$0x3FB0]  }
0x2e: {  	s3 =	simm.s32 @!p0 $0x1082;
	s9 =	sld [smem:$0x3FB1]  }
0x2f: {  	lr =	sadd.s32 s0, s3;
	s0 =	sld [smem:$0x3FA8]  }
0x30: {  	s3 =	sld [smem:$0x3FAB]  }
0x31: {  	[smem:$0x3FB4] =	sst s10  }
0x32: {  	s10 =	sld [smem:$0x3FB2];
	_ =	sdelay $0x3  }
0x33: {  	p0 =	seq.s32 s10, $0x1;
	s10 =	sld [smem:$0x3FB4];
	_ =	sdelay $0x3  }
0x34: {  	[smem:$0x3FB4] =	sst s10  }
0x35: {  	s10 =	sld [smem:$0x3FB3];
	_ =	sdelay $0x3  }
0x36: {  	p1 =	seq.s32 s10, $0x1;
	s10 =	sld [smem:$0x3FB4];
	_ =	sdelay $0x3  }
0x37: {  	[smem:$0x3FB4] =	sst s10  }
0x38: {  	s10 =	sld [smem:$0x3FB5]  }
0x39: {  	_ = 	snop;
	(pc) =	sbr.ind lr, $3  }
0x3a: {  	_ = 	snop  }
0x3b: {  	_ = 	snop  }
0x3c: {  	p2 =	seq.s32 s10, $0x1;
	s10 =	sld [smem:$0x3FB4]  }
0x3d: {  	_ =	shalt  }
0x3e: {  	_ =	shalt  }
0x3f: {  	_ =	shalt  }
0x40: {  	_ =	shalt  }
0x41: {  	_ =	shalt  }
0x42: {  	_ =	shalt  }
0x43: {  	_ =	shalt  }
0x44: {  	_ =	shalt  }
0x45: {  	_ =	shalt  }
0x46: {  	_ =	shalt  }
0x47: {  	_ =	shalt  }
0x48: {  	_ =	shalt  }
0x49: {  	_ =	shalt  }
0x4a: {  	_ =	shalt  }
0x4b: {  	_ =	shalt  }
0x4c: {  	_ =	shalt  }
0x4d: {  	_ =	shalt  }
0x4e: {  	_ =	shalt  }
0x4f: {  	_ =	shalt  }
0x50: {  	_ =	shalt  }
0x51: {  	_ =	shalt  }
0x52: {  	_ =	shalt  }
0x53: {  	_ =	shalt  }
0x54: {  	_ =	shalt  }
0x55: {  	_ =	shalt  }
0x56: {  	_ =	shalt  }
0x57: {  	_ =	shalt  }
0x58: {  	_ =	shalt  }
0x59: {  	_ =	shalt  }
0x5a: {  	_ =	shalt  }
0x5b: {  	_ =	shalt  }
0x5c: {  	_ =	shalt  }
0x5d: {  	_ =	shalt  }
0x5e: {  	_ =	shalt  }
0x5f: {  	_ =	shalt  }
0x60: {  	_ =	shalt  }
0x61: {  	_ =	shalt  }
0x62: {  	_ =	shalt  }
0x63: {  	_ =	shalt  }
0x64: {  	_ =	shalt  }
0x65: {  	_ =	shalt  }
0x66: {  	_ =	shalt  }
0x67: {  	_ =	shalt  }
0x68: {  	_ =	shalt  }
0x69: {  	_ =	shalt  }
0x6a: {  	_ =	shalt  }
0x6b: {  	_ =	shalt  }
0x6c: {  	_ =	shalt  }
0x6d: {  	_ =	shalt  }
0x6e: {  	_ =	shalt  }
0x6f: {  	_ =	shalt  }
0x70: {  	_ =	shalt  }
0x71: {  	_ =	shalt  }
0x72: {  	_ =	shalt  }
0x73: {  	_ =	shalt  }
0x74: {  	_ =	shalt  }
0x75: {  	_ =	shalt  }
0x76: {  	_ =	shalt  }
0x77: {  	_ =	shalt  }
0x78: {  	_ =	shalt  }
0x79: {  	_ =	shalt  }
0x7a: {  	_ =	shalt  }
0x7b: {  	_ =	shalt  }
0x7c: {  	_ =	shalt  }
0x7d: {  	_ =	shalt  }
0x7e: {  	_ =	shalt  }
0x7f: {  	_ =	shalt  }
0x80: {  	_ =	shalt  }
0x81: {  	_ =	shalt  }
0x82: {  	_ =	shalt  }
0x83: {  	_ =	shalt  }
0x84: {  	_ =	shalt  }
0x85: {  	_ =	shalt  }
0x86: {  	_ =	shalt  }
0x87: {  	_ =	shalt  }
.Lfunc_end0:
.L_simem_size_0:
called_computation.2_lowered:
.L_overlay_start_0:
0x88: {  	s2 =	sld [smem:$0x3FD9]  }
0x89: {  	s3 =	sld [smem:$0x3FFE];
	_ =	sdelay $0x1  }
0x8a: {  	s1 =	srdreg.scid  }
0x8b: {  	s0 =	sand.u32 $0x1, s1  }
0x8c: {  	s17 =	sshll.u32 s0, $0xA;
	s2 =	sadd.s32 s3, s2  }
0x8d: {  	s2 =	sadd.s32 s2, s17  }
0x8e: {  	[smem:$0x3FC0] =	sst s2  }
0x8f: {  	_ = 	snop  }
0x90: {  	s2 =	sld [smem:$0x3FD0];
	(tm) =	ssettm $0x1  }
0x91: {  	s18 =	sld [smem:$0x3FFB];
	_ =	sdelay $0x3  }
0x92: {  	_ =	strace s18  }
0x93: {  	s3 =	sld [smem:$0x3FFC];
	_ =	sdelay $0x3  }
0x94: {  	_ =	strace s3  }
0x95: {  	s3 =	sld [smem:$0x3FFD];
	_ =	sdelay $0x3  }
0x96: {  	_ =	strace s3  }
0x97: {  	_ =	strace $0x8FFFFFFF  }
0x98: {  	s19 =	sld [smem:$0x3FDB];
	_ =	sdelay $0x1  }
0x99: {  	s4 =	simm.s32 $_scs_section_size  }
0x9a: {  	s5 =	simm.s32 $_size__tile_overlayer_lowered;
	s6 =	simm.s32 $_tile_overlayer_lowered  }
0x9b: {  	s22 =	simm.s32 $0x1BFF;
	s21 =	sshll.u32 s6, $0x1;
	s3 =	sadd.s32 s4, s19  }
0x9c: {  	s7 =	simm.s32 $0x0;
	s20 =	sshll.u32 s5, $0x1;
	s5 =	sadd.s32 s21, s3  }
0x9d: {  	[timem:s7], [sflag:s22] =	dma.local [hbm:s5], s20  }
0x9e: {  	_ =	swait.ge [sflag:s22], s20  }
0x9f: {  	s4 =	ssub.s32 $0x0, s20;
	[sflag:s22] =	ssyncset.done $0x0  }
0xa0: {  	[sflag:s22] =	ssyncadd.s32 s4;
	_ =	sdelay $0x1  }
0xa1: {  	s23 =	simm.s32 $0x1B8B  }
0xa2: {  	_ =	swait.ge [sflag:s23], $0x1  }
0xa3: {  	[sflag:s23] =	ssyncset.done $0x0  }
0xa4: {  	s25 =	simm.s32 $0x1B8E;
	s24 =	sld [smem:$0x3FFE];
	[sflag:s23] =	ssyncadd.s32 $0xFFFFFFFF  }
0xa5: {  	s26 =	simm.s32 $execute0_lowered;
	[smem:$0x3FD2] =	sst s25  }
0xa6: {  	s5 =	sshll.u32 s26, $0x1;
	_ =	strace $0x8000004C;
	[dreg:$0x1] =	wrdreg $0xFFFFFFFF  }
0xa7: {  	s28 =	simm.s32 $_size_execute0_lowered;
	s3 =	sadd.s32 s3, s5;
	[dreg:$0x0] =	wrdreg $0x0  }
0xa8: {  	s5 =	sshll.u32 s28, $0x1;
	[dreg:$0x2] =	wrdreg s3  }
0xa9: {  	[dreg:$0x3] =	wrdreg s5  }
0xaa: {  	[dreg:$0x4] =	wrdreg $0xC0  }
0xab: {  	_ =	task [dreg:s7], $0x5FFFF  }
0xac: {  	[dreg:$0x1] =	wrdreg $0xFFFFFFFF  }
0xad: {  	[dreg:$0x0] =	wrdreg $0x60  }
0xae: {  	[dreg:$0x2] =	wrdreg s24  }
0xaf: {  	[dreg:$0x3] =	wrdreg s2  }
0xb0: {  	[dreg:$0x4] =	wrdreg $0x95800  }
0xb1: {  	[dreg:$0x5] =	wrdreg $0x9  }
0xb2: {  	_ =	task.clear_ibuf [dreg:s7], $0x6FFFF;
	_ =	strace $0x9000004C  }
0xb3: {  	s29 =	simm.s32 $0x9;
	_ =	strace $0x8000004E  }
0xb4: {  	_ =	swait.ge [sflag:s29], $0x1  }
0xb5: {  	[sflag:s29] =	ssyncadd.s32 $0xFFFFFFFF  }
0xb6: {  	_ =	strace $0x9000004E  }
0xb7: {  	_ =	sfence  }
0xb8: {  	s30 =	sld [smem:$0x0];
	_ =	sdelay $0x2  }
0xb9: {  	s31 =	sshll.u32 s1, $0xD;
	s1 =	sshrl.u32 s1, $0x2  }
0xba: {  	s3 =	sand.u32 $0x4000, s31;
	s1 =	sadd.s32 s1, s30  }
0xbb: {  	s0 =	sor.u32 s3, s0;
	s1 =	sshll.u32 s1, $0x11  }
0xbc: {  	s0 =	sor.u32 s1, s0  }
0xbd: {  	s0 =	sadd.s32 $0x8F2B, s0  }
0xbe: {  	[sflag:s0] =	ssyncadd.remote.s32 $0x1  }
0xbf: {  	_ =	sfence.sel $0xFFFF  }
0xc0: {  	[dreg:$0x0] =	wrdreg $0xFFFFFFFF;
	(pc) =	sbr.abs _section_cstart, $3  }
0xc1: {  	[dreg:$0x1] =	wrdreg $0xFFFFFFFF  }
0xc2: {  	_ =	task.clear_ibuf [dreg:s7], $0x2FFFF;
	_ =	strace $0x9FFFFFFF  }
0xc3: {  	(tm) =	ssettm $0x7FFFFFFF  }
tec
execute0_lowered:
.L_overlay_start_1:
0x0: {  	(tag) =	ssettag $0x1  }
0x1: {  	s5 =	rddreg [dreg:$0x0]  }
0x2: {  	s2 =	rddreg [dreg:$0x1]  }
0x3: {  	s3 =	rddreg [dreg:$0x2]  }
0x4: {  	s4 =	srdreg.scid;
	s1 =	stileid.u32  }
0x5: {  	s0 =	rddreg [dreg:$0x3];
	s14 =	simm.s32 $0x100;
	s6 =	smul.u32 $0x27800, s1  }
0x6: {  	s17 =	simm.s32 $0x2;
	s18 =	simm.s32 $0x2900;
	s8 =	smul.u32 $0x520, s1  }
0x7: {  	s19 =	simm.s32 $0x5500;
	s21 =	simm.s32 $0x1;
	s9 =	smul.u32 $0x13C00, s1  }
0x8: {  	s22 =	simm.s32 $0x0;
	s20 =	sand.u32 $0x1, s4;
	s10 =	smul.u32 $0x580, s1  }
0x9: {  	s4 =	simm.s32 $0x0;
	s11 =	smul.u32 $0x4E200, s1;
	s31 =	sshll.u32 s1, $0x6  }
0xa: {  	s7 =	sshll.u32 s20, $0xA;
	[smem:$0x7FF] =	sst s4;
	s28 =	smul.u32 $0x13C000, s20  }
0xb: {  	s29 =	ssub.s32 $0x2, s20;
	v0 =	vmov s20;
	s20 =	simm.s32 $0x5580;
	s6 =	sor.u32 s7, s6  }
0xc: {  	_ =	strace $0x8000004D;
	s8 =	sadd.s32 s8, s5;
	s10 =	sadd.s32 s10, s5  }
0xd: {  	s12 =	sshrl.u32 s29, $0x1;
	s30 =	sshrl.u32 s11, $0x2;
	s6 =	sshrl.u32 s6, $0x3  }
0xe: {  	s7 =	sadd.s32 s9, s28;
	s12 =	ssub.s32 s29, s12;
	s11 =	sadd.s32 s30, s3  }
0xf: {  	s6 =	sadd.s32 s6, s5;
	s7 =	sshrl.u32 s7, $0x3;
	s16 =	sadd.s32 $0x13800, s11  }
0x10: {  	s11 =	sshrl.u32 s11, $0x3;
	s13 =	sadd.s32 s7, s5;
	s5 =	sadd.s32 $0x2400, s6  }
0x11: {  	s6 =	sor.u32 $0x1C02, s31;
	s7 =	sadd.s32 $0x56C00, s8;
	s8 =	sadd.s32 $0x51400, s10  }
0x12: {  	s10 =	smax.u32 s12, $0x1;
	s12 =	simm.s32 $0x8;
	s16 =	sshrl.u32 s16, $0x3  }
0x13: {  	s9 =	sadd.s32 $0x5BE00, s13;
	s13 =	simm.s32 $0x80;
	s15 =	sadd.s32 $0x4E00, s5  }
.LBB2_1:
0x14: {  	[spmem:s11@s13], [sflag:s6] =	dma.strided [hbm:s5@s14], $0x2700, s12, $0x10   }
0x15: {  	[spmem:s16], [sflag:s6] =	dma.local [hbm:s15], $0x10  }
0x16: {  	_ =	swait.ge [sflag:s17], $0x2710  }
0x17: {  	[sflag:s17] =	ssyncset.done $0x0  }
0x18: {  	[sflag:s17] =	ssyncadd.s32 $0xFFFFD8F0  }
0x19: {  	[tilespmem:s4], [sflag:$0x2] =	stream.linear.gather [hbm4b:s7+s4], $0x2900, $0x38;
	[tilespmem:$0x1CE80] =	vst v63  }
0x1a: {  	_ =	swait.ge [sflag:s17], $0x2900  }
0x1b: {  	[sflag:s17] =	ssyncset.done $0x0  }
0x1c: {  	[sflag:s17] =	ssyncadd.s32 $0xFFFFD700  }
0x1d: {  	[tilespmem:s18], [sflag:$0x2] =	stream.linear.gather [hbm4b:s8+s4], $0x2900, $0x38;
	[tilespmem:$0x1CE80] =	vst v63  }
0x1e: {  	_ =	swait.ge [sflag:s17], $0x2900  }
0x1f: {  	[sflag:s17] =	ssyncset.done $0x0  }
0x20: {  	[sflag:s17] =	ssyncadd.s32 $0xFFFFD700  }
0x21: {  	s23 =	simm.s32 $0x0;
	[bflag:$0x0] =	sbarrier.arrive $0xFFFF  }
0x22: {  	v1 =	vld [tilespmem:s23+$0x0];
	_ =	sdelay $0x4  }
0x23: {  	v1 =	vshll.u32 v1, $0x1  }
0x24: {  	v1 =	vor.u32 v0, v1  }
0x25: {  	[tilespmem:$0x5500] =	vst v1  }
0x26: {  	v1 =	vld [tilespmem:s23+$0x10];
	_ =	sdelay $0x4  }
0x27: {  	v1 =	vshll.u32 v1, $0x1  }
0x28: {  	v1 =	vor.u32 v0, v1  }
0x29: {  	[tilespmem:$0x5510] =	vst v1  }
0x2a: {  	v1 =	vld [tilespmem:s23+$0x20];
	_ =	sdelay $0x4  }
0x2b: {  	v1 =	vshll.u32 v1, $0x1  }
0x2c: {  	v1 =	vor.u32 v0, v1  }
0x2d: {  	[tilespmem:$0x5520] =	vst v1  }
0x2e: {  	v1 =	vld [tilespmem:s23+$0x30];
	_ =	sdelay $0x4  }
0x2f: {  	v1 =	vshll.u32 v1, $0x1  }
0x30: {  	v1 =	vor.u32 v0, v1  }
0x31: {  	[tilespmem:$0x5530] =	vst v1  }
0x32: {  	v1 =	vld [tilespmem:s23+$0x40];
	_ =	sdelay $0x4  }
0x33: {  	v1 =	vshll.u32 v1, $0x1  }
0x34: {  	v1 =	vor.u32 v0, v1  }
0x35: {  	[tilespmem:$0x5540] =	vst v1  }
0x36: {  	v1 =	vld [tilespmem:s23+$0x50];
	_ =	sdelay $0x4  }
0x37: {  	v1 =	vshll.u32 v1, $0x1  }
0x38: {  	v1 =	vor.u32 v0, v1  }
0x39: {  	[tilespmem:$0x5550] =	vst v1  }
0x3a: {  	v1 =	vld [tilespmem:s23+$0x60];
	_ =	sdelay $0x4  }
0x3b: {  	v1 =	vshll.u32 v1, $0x1  }
0x3c: {  	v1 =	vor.u32 v0, v1  }
0x3d: {  	[tilespmem:$0x5560] =	vst v1  }
0x3e: {  	v1 =	vld [tilespmem:s23+$0x70];
	_ =	sdelay $0x4  }
0x3f: {  	v1 =	vshll.u32 v1, $0x1  }
0x40: {  	v1 =	vor.u32 v0, v1  }
0x41: {  	[tilespmem:$0x5570] =	vst v1  }
0x42: {  	[tilespmem:s20], [sflag:$0x1] =	stream.indirect.gather [hbm4b:s2+s13], $0x80, s19, s13, $0xb8;
	[tilespmem:$0x1CE80] =	vst v63  }
0x43: {  	_ =	swait.ge [sflag:s21], $0x4000  }
0x44: {  	[sflag:s21] =	ssyncset.done $0x0  }
0x45: {  	s31 =	simm.s32 $0x2900;
	[sflag:s21] =	ssyncadd.s32 $0xFFFFC000  }
0x46: {  	[spmem:s3] =	stream.indirect.scatter.add.f32 [tilespmem:s20], [sflag:$0x2], $0x80, s31, s13, $0xb8;
	[tilespmem:$0x1CE80] =	vst v63  }
0x47: {  	_ =	swait.ge [sflag:s17], $0x4000  }
0x48: {  	s26 =	simm.s32 $0x400;
	s23 =	simm.s32 $0x200;
	[sflag:s17] =	ssyncset.done $0x0  }
.LBB2_2:
0x49: {  	s25 =	sshra.s32 s23, $0x2  }
0x4a: {  	[sflag:s17] =	ssyncadd.s32 $0xFFFFC000;
	s23 =	smov.u32 s26;
	s24 =	sadd.s32 $0x200, s26  }
0x4b: {  	p0 =	sne.s32 s26, $0xA200;
	v1 =	vld [tilespmem:s25+$0x0];
	_ =	sdelay $0x4  }
0x4c: {  	v1 =	vshll.u32 v1, $0x1  }
0x4d: {  	v1 =	vor.u32 v0, v1  }
0x4e: {  	[tilespmem:$0x5500] =	vst v1  }
0x4f: {  	v1 =	vld [tilespmem:s25+$0x10];
	_ =	sdelay $0x4  }
0x50: {  	v1 =	vshll.u32 v1, $0x1  }
0x51: {  	v1 =	vor.u32 v0, v1  }
0x52: {  	[tilespmem:$0x5510] =	vst v1  }
0x53: {  	v1 =	vld [tilespmem:s25+$0x20];
	_ =	sdelay $0x4  }
0x54: {  	v1 =	vshll.u32 v1, $0x1  }
0x55: {  	v1 =	vor.u32 v0, v1  }
0x56: {  	[tilespmem:$0x5520] =	vst v1  }
0x57: {  	v1 =	vld [tilespmem:s25+$0x30];
	_ =	sdelay $0x4  }
0x58: {  	v1 =	vshll.u32 v1, $0x1  }
0x59: {  	v1 =	vor.u32 v0, v1  }
0x5a: {  	[tilespmem:$0x5530] =	vst v1  }
0x5b: {  	v1 =	vld [tilespmem:s25+$0x40];
	_ =	sdelay $0x4  }
0x5c: {  	v1 =	vshll.u32 v1, $0x1  }
0x5d: {  	v1 =	vor.u32 v0, v1  }
0x5e: {  	[tilespmem:$0x5540] =	vst v1  }
0x5f: {  	v1 =	vld [tilespmem:s25+$0x50];
	_ =	sdelay $0x4  }
0x60: {  	v1 =	vshll.u32 v1, $0x1  }
0x61: {  	v1 =	vor.u32 v0, v1  }
0x62: {  	[tilespmem:$0x5550] =	vst v1  }
0x63: {  	v1 =	vld [tilespmem:s25+$0x60];
	_ =	sdelay $0x4  }
0x64: {  	v1 =	vshll.u32 v1, $0x1  }
0x65: {  	v1 =	vor.u32 v0, v1  }
0x66: {  	[tilespmem:$0x5560] =	vst v1  }
0x67: {  	v1 =	vld [tilespmem:s25+$0x70];
	_ =	sdelay $0x4  }
0x68: {  	v1 =	vshll.u32 v1, $0x1  }
0x69: {  	v1 =	vor.u32 v0, v1  }
0x6a: {  	[tilespmem:$0x5570] =	vst v1  }
0x6b: {  	[tilespmem:s20], [sflag:$0x1] =	stream.indirect.gather [hbm4b:s2+s13], $0x80, s19, s13, $0xb8;
	[tilespmem:$0x1CE80] =	vst v63  }
0x6c: {  	_ =	swait.ge [sflag:s21], $0x4000  }
.Ltmp0:
0x6d: {  	[sflag:s21] =	ssyncset.done $0x0;
	(pc) =	sbr.rel @p0 .LBB2_2-.Ltmp0, $4  }
0x6e: {  	s25 =	sadd.s32 $0x2900, s25;
	[sflag:s21] =	ssyncadd.s32 $0xFFFFC000  }
0x6f: {  	[spmem:s3] =	stream.indirect.scatter.add.f32 [tilespmem:s20], [sflag:$0x2], $0x80, s25, s13, $0xb8;
	[tilespmem:$0x1CE80] =	vst v63  }
0x70: {  	_ =	swait.ge [sflag:s17], $0x4000  }
0x71: {  	s26 =	smov.u32 s24;
	[sflag:s17] =	ssyncset.done $0x0  }
0x72: {  	s23 =	sshra.s32 s23, $0x2;
	[sflag:s17] =	ssyncadd.s32 $0xFFFFC000  }
0x73: {  	v1 =	vld [tilespmem:s23+$0x0];
	_ =	sdelay $0x4  }
0x74: {  	v1 =	vshll.u32 v1, $0x1  }
0x75: {  	v1 =	vor.u32 v0, v1  }
0x76: {  	[tilespmem:$0x5500] =	vst v1  }
0x77: {  	v1 =	vld [tilespmem:s23+$0x10];
	_ =	sdelay $0x4  }
0x78: {  	v1 =	vshll.u32 v1, $0x1  }
0x79: {  	v1 =	vor.u32 v0, v1  }
0x7a: {  	[tilespmem:$0x5510] =	vst v1  }
0x7b: {  	v1 =	vld [tilespmem:s23+$0x20];
	_ =	sdelay $0x4  }
0x7c: {  	v1 =	vshll.u32 v1, $0x1  }
0x7d: {  	v1 =	vor.u32 v0, v1  }
0x7e: {  	[tilespmem:$0x5520] =	vst v1  }
0x7f: {  	v1 =	vld [tilespmem:s23+$0x30];
	_ =	sdelay $0x4  }
0x80: {  	v1 =	vshll.u32 v1, $0x1  }
0x81: {  	v1 =	vor.u32 v0, v1  }
0x82: {  	[tilespmem:$0x5530] =	vst v1  }
0x83: {  	v1 =	vld [tilespmem:s23+$0x40];
	_ =	sdelay $0x4  }
0x84: {  	v1 =	vshll.u32 v1, $0x1  }
0x85: {  	v1 =	vor.u32 v0, v1  }
0x86: {  	[tilespmem:$0x5540] =	vst v1  }
0x87: {  	v1 =	vld [tilespmem:s23+$0x50];
	_ =	sdelay $0x4  }
0x88: {  	v1 =	vshll.u32 v1, $0x1  }
0x89: {  	v1 =	vor.u32 v0, v1  }
0x8a: {  	[tilespmem:$0x5550] =	vst v1  }
0x8b: {  	v1 =	vld [tilespmem:s23+$0x60];
	_ =	sdelay $0x4  }
0x8c: {  	v1 =	vshll.u32 v1, $0x1  }
0x8d: {  	v1 =	vor.u32 v0, v1  }
0x8e: {  	[tilespmem:$0x5560] =	vst v1  }
0x8f: {  	v1 =	vld [tilespmem:s23+$0x70];
	_ =	sdelay $0x4  }
0x90: {  	v1 =	vshll.u32 v1, $0x1  }
0x91: {  	v1 =	vor.u32 v0, v1  }
0x92: {  	[tilespmem:$0x5570] =	vst v1  }
0x93: {  	[tilespmem:s20], [sflag:$0x1] =	stream.indirect.gather [hbm4b:s2+s13], $0x80, s19, s13, $0xb8;
	[tilespmem:$0x1CE80] =	vst v63  }
0x94: {  	_ =	swait.ge [sflag:s21], $0x4000  }
0x95: {  	[sflag:s21] =	ssyncset.done $0x0  }
0x96: {  	s23 =	sadd.s32 $0x2900, s23;
	[sflag:s21] =	ssyncadd.s32 $0xFFFFC000  }
0x97: {  	[spmem:s3] =	stream.indirect.scatter.add.f32 [tilespmem:s20], [sflag:$0x2], $0x80, s23, s13, $0xb8;
	[tilespmem:$0x1CE80] =	vst v63  }
0x98: {  	_ =	swait.ge [sflag:s17], $0x4000  }
0x99: {  	s22 =	sadd.s32 $0x1, s22;
	[sflag:s17] =	ssyncset.done $0x0  }
0x9a: {  	p0 =	sne.s32 s22, s10;
	[sflag:s17] =	ssyncadd.s32 $0xFFFFC000  }
.Ltmp1:
0x9b: {  	[bflag:$0x0] =	sbarrier.arrive $0xFFFF;
	(pc) =	sbr.rel @p0 .LBB2_1-.Ltmp1, $4  }
0x9c: {  	[hbm:s9], [sflag:s6] =	dma.local [spmem:s11], $0x2710  }
0x9d: {  	_ =	swait.ge [sflag:s17], $0x2710  }
0x9e: {  	[sflag:s17] =	ssyncset.done $0x0  }
0x9f: {  	[sflag:s17] =	ssyncadd.s32 $0xFFFFD8F0  }
0xa0: {  	_ =	sfence.sel $0x180000  }
0xa1: {  	[bflag:$0x0] =	sbarrier.arrive $0xFFFF  }
0xa2: {  	p0 =	sne.s32 s1, $0x0;
	_ =	strace $0x9000004D  }
0xa3: {  	s0 =	sadd.s32 @!p0 $0x100000, s0;
	[bflag:$0x2] =	sbarrier.arrive $0xFFFF  }
0xa4: {  	[sflag:s0] =	ssyncadd.tile.s32 @!p0 $0x1;
	_ =	shalt  }
.Lfunc_end2:
_tile_overlayer_lowered:
.L_overlay_start_2:
0xa5: {  	(tag) =	ssettag $0x2  }
0xa6: {  	s0 =	rddreg [dreg:$0x0];
	s2 =	stileid.u32  }
0xa7: {  	s1 =	rddreg [dreg:$0x1];
	p0 =	sne.s32 s2, $0x0  }
0xa8: {  	s3 =	rddreg [dreg:$0x2];
	[bflag:$0x3] =	sbarrier.arrive $0xFFFF;
	s2 =	simm.s32 @!p0 $0x1C02  }
0xa9: {  	[timem:s3], [sflag:s2] =	dma.local @!p0 [hbm:s0], s1  }
0xaa: {  	s0 =	simm.s32 @!p0 $0x2  }
0xab: {  	_ =	swait.ge @!p0 [sflag:s0], s1  }
0xac: {  	s1 =	ssub.s32 @!p0 $0x0, s1;
	[sflag:s0] =	ssyncset.done @!p0 $0x0  }
0xad: {  	[sflag:s0] =	ssyncadd.s32 @!p0 s1  }
0xae: {  	[bflag:$0x3] =	sbarrier.arrive $0xFFFF  }
0xaf: {  	_ =	shalt  }

</sc_bundles>
